<compile_context>
chip_gen: v7x
topology: tpu7x:2x2x1
jax: 0.10.2.dev20260603
libtpu: 0.0.44.dev20260713+nightly
codegen_flags: <defaults>
</compile_context>

<pallas_src>
import functools

import jax
import jax.numpy as jnp
from jax import lax
from jax.experimental import pallas as pl
from jax.experimental.pallas import tpu as pltpu
from jax.experimental.pallas import tpu_sc as plsc

CH = 128
EMB = 64
HEADS = 2
CROP = 300
CH_H = EMB // HEADS
NPIX = CROP * CROP
NUM_OBJ = CROP // 2
HALF = NPIX // 2

P_BLK = 3600
N_PBLK = NPIX // P_BLK
P_BLK2 = 4096
N_PBLK2 = -(-NPIX // P_BLK2)
G_BLK = 8
NGROUP = HEADS * CROP
CW = 128

NW = 32
ROWS = HEADS * NPIX
ROWS_PER_W = 5632
ROWS_PAD = NW * ROWS_PER_W
SC_CHUNK = 512



def _conv1_body(x_ref, w_ref, slab_ref, stats_ref):
    j = pl.program_id(0)
    y = lax.dot_general(x_ref[...], w_ref[...], (((0,), (1,)), ((), ())),
                        preferred_element_type=jnp.float32)
    z = jnp.zeros((y.shape[0], CW - CH_H), jnp.float32)
    slab_ref[0] = jnp.concatenate([y[:, :CH_H], z], axis=1)
    slab_ref[1] = jnp.concatenate([y[:, CH_H:], z], axis=1)
    row = lax.broadcasted_iota(jnp.int32, (P_BLK2, 1), 0) + j * P_BLK2
    ym = jnp.where(row < NPIX, y, 0.0)
    st = jnp.stack([jnp.sum(ym, axis=0), jnp.sum(ym * ym, axis=0)], axis=0)

    @pl.when(j == 0)
    def _():
        stats_ref[...] = st

    @pl.when(j > 0)
    def _():
        stats_ref[...] = stats_ref[...] + st


def _attn_body(s_ref, sc_ref, sh_ref, wq_ref, wkv_ref, v_ref):
    raw = s_ref[...][:, :CH_H].reshape(G_BLK, CROP, CH_H)
    s3 = jnp.maximum(raw * sc_ref[...][:, None, :] + sh_ref[...][:, None, :],
                     0.0)
    s = s3.reshape(G_BLK * CROP, CH_H)
    q = lax.dot_general(s, wq_ref[...], (((1,), (1,)), ((), ())),
                        preferred_element_type=jnp.float32)
    kv = lax.dot_general(s, wkv_ref[...], (((1,), (1,)), ((), ())),
                         preferred_element_type=jnp.float32)
    q3 = q.reshape(G_BLK, CROP, CH_H)
    k3 = kv[:, :CH_H].reshape(G_BLK, CROP, CH_H)
    v3 = kv[:, CH_H:].reshape(G_BLK, CROP, CH_H)
    dots = lax.dot_general(q3, k3, (((2,), (2,)), ((0,), (0,))),
                           preferred_element_type=jnp.float32)
    dots = dots * (CH_H ** -0.5)
    mx = jnp.max(dots, axis=2, keepdims=True)
    e = jnp.exp(dots - mx)
    attn = e / jnp.sum(e, axis=2, keepdims=True)
    v_ref[...] = lax.dot_general(attn, v3, (((2,), (1,)), ((0,), (0,))),
                                 preferred_element_type=jnp.float32)


def _outconv2_body(a0_ref, a1_ref, y0_ref, y1_ref, sc_ref, sh_ref,
                   wout_ref, bout_ref, w2_ref, z_ref, stats_ref):
    j = pl.program_id(0)
    img = jnp.concatenate([a0_ref[...][:, :CH_H], a1_ref[...][:, :CH_H]],
                          axis=1)
    y = lax.dot_general(img, wout_ref[...], (((1,), (1,)), ((), ())),
                        preferred_element_type=jnp.float32) + bout_ref[...]
    y = jnp.maximum(y, 0.0)
    yraw = jnp.concatenate([y0_ref[...][:, :CH_H], y1_ref[...][:, :CH_H]],
                           axis=1)
    x1 = jnp.maximum(yraw * sc_ref[...] + sh_ref[...], 0.0)
    w2 = w2_ref[...]
    z = (lax.dot_general(y, w2[:, :EMB], (((1,), (1,)), ((), ())),
                         preferred_element_type=jnp.float32)
         + lax.dot_general(x1, w2[:, EMB:], (((1,), (1,)), ((), ())),
                           preferred_element_type=jnp.float32))
    z_ref[...] = z
    st = jnp.stack([jnp.sum(z, axis=0), jnp.sum(z * z, axis=0)], axis=0)

    @pl.when(j == 0)
    def _():
        stats_ref[...] = st

    @pl.when(j > 0)
    def _():
        stats_ref[...] = stats_ref[...] + st


def _bn2_body(z_ref, stats_ref, g_ref, b_ref, out_ref):
    st = stats_ref[...]
    m = st[0:1, :] * (1.0 / NPIX)
    v = st[1:2, :] * (1.0 / NPIX) - m * m
    scale = g_ref[...] * lax.rsqrt(v + 1e-5)
    shift = b_ref[...] - m * scale
    zn = jnp.maximum(z_ref[...] * scale + shift, 0.0)
    out_ref[...] = zn.T



def _sc_worker_id():
    return lax.axis_index("s") * 2 + lax.axis_index("c")


@functools.lru_cache(maxsize=None)
def _sc_kernels():
    mesh = plsc.VectorSubcoreMesh(core_axis_name="c", subcore_axis_name="s")
    common = dict(
        mesh=mesh,
        out_type=jax.ShapeDtypeStruct((ROWS_PAD, CW), jnp.float32),
        scratch_types=[
            pltpu.VMEM((SC_CHUNK,), jnp.int32),
            pltpu.VMEM((SC_CHUNK, CW), jnp.float32),
            pltpu.SemaphoreType.DMA,
        ],
    )

    @functools.partial(pl.kernel, **common)
    def sc_gather(table_hbm, idx_hbm, out_hbm, idx_v, rows_v, sem):
        base = _sc_worker_id() * ROWS_PER_W
        for i in range(ROWS_PER_W // SC_CHUNK):
            off = base + i * SC_CHUNK
            pltpu.sync_copy(idx_hbm.at[pl.ds(off, SC_CHUNK)], idx_v)
            pltpu.async_copy(table_hbm.at[idx_v], rows_v, sem).wait()
            pltpu.sync_copy(rows_v, out_hbm.at[pl.ds(off, SC_CHUNK)])

    @functools.partial(pl.kernel, **common)
    def sc_scatter(vals_hbm, idx_hbm, out_hbm, idx_v, rows_v, sem):
        base = _sc_worker_id() * ROWS_PER_W
        for i in range(ROWS_PER_W // SC_CHUNK):
            off = base + i * SC_CHUNK
            pltpu.sync_copy(idx_hbm.at[pl.ds(off, SC_CHUNK)], idx_v)
            pltpu.sync_copy(vals_hbm.at[pl.ds(off, SC_CHUNK)], rows_v)
            pltpu.async_copy(rows_v, out_hbm.at[idx_v], sem).wait()

    return sc_gather, sc_scatter



def _pixel_indices(obj_dict, bg_dict, rand_inds):
    dict_cat = jnp.concatenate([obj_dict, bg_dict])
    row_off = (jnp.arange(CROP) >= NUM_OBJ).astype(jnp.int32) * HALF
    adj = rand_inds + row_off[None, :, None]
    pix = jnp.take(dict_cat, adj.reshape(-1)).reshape(HEADS, CROP, CROP)
    head_off = (jnp.arange(HEADS, dtype=jnp.int32) * NPIX)[:, None, None]
    return (pix + head_off).reshape(-1)


def kernel(x, obj_dict, bg_dict, rand_inds, conv1_w, bn1_g, bn1_b,
           to_q_w, to_kv_w, to_out_w, to_out_b, conv2_w, bn2_g, bn2_b):
    x_fm = x.reshape(CH, NPIX)

    slab, stats1 = pl.pallas_call(
        _conv1_body,
        grid=(N_PBLK2,),
        in_specs=[
            pl.BlockSpec((CH, P_BLK2), lambda j: (0, j)),
            pl.BlockSpec((EMB, CH), lambda j: (0, 0)),
        ],
        out_specs=[
            pl.BlockSpec((HEADS, P_BLK2, CW), lambda j: (0, j, 0)),
            pl.BlockSpec((2, EMB), lambda j: (0, 0)),
        ],
        out_shape=[
            jax.ShapeDtypeStruct((HEADS, NPIX, CW), jnp.float32),
            jax.ShapeDtypeStruct((2, EMB), jnp.float32),
        ],
    )(x_fm, conv1_w)

    m1 = stats1[0] * (1.0 / NPIX)
    v1 = stats1[1] * (1.0 / NPIX) - m1 * m1
    sc1 = bn1_g * lax.rsqrt(v1 + 1e-5)
    sh1 = bn1_b - m1 * sc1
    head_of_g = (jnp.arange(NGROUP) // CROP).astype(jnp.int32)
    sc_g = sc1.reshape(HEADS, CH_H)[head_of_g]
    sh_g = sh1.reshape(HEADS, CH_H)[head_of_g]

    idx_all = _pixel_indices(obj_dict, bg_dict, rand_inds)
    n_pad = ROWS_PAD - ROWS
    idx_g = jnp.concatenate([idx_all, jnp.zeros((n_pad,), jnp.int32)])
    idx_s = jnp.concatenate(
        [idx_all, ROWS + jnp.arange(n_pad, dtype=jnp.int32)])

    sc_gather, sc_scatter = _sc_kernels()
    table = slab.reshape(ROWS, CW)
    seq = sc_gather(table, idx_g)

    o = pl.pallas_call(
        _attn_body,
        grid=(NGROUP // G_BLK,),
        in_specs=[
            pl.BlockSpec((G_BLK * CROP, CW), lambda j: (j, 0)),
            pl.BlockSpec((G_BLK, CH_H), lambda j: (j, 0)),
            pl.BlockSpec((G_BLK, CH_H), lambda j: (j, 0)),
            pl.BlockSpec((CH_H, CH_H), lambda j: (0, 0)),
            pl.BlockSpec((2 * CH_H, CH_H), lambda j: (0, 0)),
        ],
        out_specs=pl.BlockSpec((G_BLK, CROP, CH_H), lambda j: (j, 0, 0)),
        out_shape=jax.ShapeDtypeStruct((NGROUP, CROP, CH_H), jnp.float32),
    )(seq, sc_g, sh_g, to_q_w, to_kv_w)

    vals = o.reshape(NGROUP, CH_H, CROP).transpose(0, 2, 1).reshape(ROWS, CH_H)
    vals = jnp.pad(vals, ((0, n_pad), (0, CW - CH_H)))

    table2 = sc_scatter(vals, idx_s)

    z, stats2 = pl.pallas_call(
        _outconv2_body,
        grid=(N_PBLK,),
        in_specs=[
            pl.BlockSpec((P_BLK, CW), lambda j: (j, 0)),
            pl.BlockSpec((P_BLK, CW), lambda j: (j + N_PBLK, 0)),
            pl.BlockSpec((P_BLK, CW), lambda j: (j, 0)),
            pl.BlockSpec((P_BLK, CW), lambda j: (j + N_PBLK, 0)),
            pl.BlockSpec((1, EMB), lambda j: (0, 0)),
            pl.BlockSpec((1, EMB), lambda j: (0, 0)),
            pl.BlockSpec((EMB, EMB), lambda j: (0, 0)),
            pl.BlockSpec((1, EMB), lambda j: (0, 0)),
            pl.BlockSpec((EMB, 2 * EMB), lambda j: (0, 0)),
        ],
        out_specs=[
            pl.BlockSpec((P_BLK, EMB), lambda j: (j, 0)),
            pl.BlockSpec((2, EMB), lambda j: (0, 0)),
        ],
        out_shape=[
            jax.ShapeDtypeStruct((NPIX, EMB), jnp.float32),
            jax.ShapeDtypeStruct((2, EMB), jnp.float32),
        ],
    )(table2, table2, table, table, sc1.reshape(1, EMB), sh1.reshape(1, EMB),
      to_out_w, to_out_b.reshape(1, EMB), conv2_w)

    out = pl.pallas_call(
        _bn2_body,
        grid=(N_PBLK2,),
        in_specs=[
            pl.BlockSpec((P_BLK2, EMB), lambda j: (j, 0)),
            pl.BlockSpec((2, EMB), lambda j: (0, 0)),
            pl.BlockSpec((1, EMB), lambda j: (0, 0)),
            pl.BlockSpec((1, EMB), lambda j: (0, 0)),
        ],
        out_specs=pl.BlockSpec((EMB, P_BLK2), lambda j: (0, j)),
        out_shape=jax.ShapeDtypeStruct((EMB, NPIX), jnp.float32),
    )(z, stats2, bn2_g.reshape(1, EMB), bn2_b.reshape(1, EMB))

    return out.reshape(1, EMB, CROP, CROP)

# --- scband reference (transcript-rebuilt; emitter-appended) ---
"""Pipeline reference for scband-block-pga-90013924590445 (READ-ONLY COPY).

The authoritative reference and input builder live on the scoring server;
editing this copy changes nothing except your own understanding.
"""

import jax, jax.numpy as jnp
import numpy as np
from jax import lax

CH = 128
EMB = 64
HEADS = 2
CROP = 300
CH_H = EMB // HEADS
NPIX = CROP * CROP
NUM_OBJ = CROP // 2


def setup_inputs(seed: int = 0) -> dict:
    key = jax.random.key(seed)
    ks = jax.random.split(key, 8)
    x = jax.random.normal(ks[0], (1, CH, CROP, CROP), dtype=jnp.float32)
    rng = np.random.default_rng(0)
    # obj_dict / bg_dict: disjoint pixel-index maps covering the whole image
    perm = rng.permutation(NPIX)
    obj_dict = jnp.asarray(perm[:NPIX // 2], dtype=jnp.int32)
    bg_dict = jnp.asarray(perm[NPIX // 2:], dtype=jnp.int32)
    # rand_inds: per-head, first CROP//2 rows index obj_dict, rest index bg_dict.
    # Built as permutations so every pixel is gathered/scattered exactly once per head
    # (makes the scatter-overwrite deterministic, matching the torch write loop).
    heads_inds = []
    for _ in range(HEADS):
        r_obj = rng.permutation(NPIX // 2).reshape(NUM_OBJ, CROP)
        r_bg = rng.permutation(NPIX // 2).reshape(CROP - NUM_OBJ, CROP)
        heads_inds.append(np.concatenate([r_obj, r_bg], axis=0))
    rand_inds = jnp.asarray(np.stack(heads_inds, axis=0), dtype=jnp.int32)

    def lin(k, o, i):
        return jax.random.normal(k, (o, i), dtype=jnp.float32) * (1.0 / np.sqrt(i))

    conv1_w = lin(ks[1], EMB, CH)
    bn1_g = jnp.ones((EMB,), jnp.float32)
    bn1_b = jnp.zeros((EMB,), jnp.float32)
    to_q_w = lin(ks[2], CH_H, CH_H)
    to_kv_w = lin(ks[3], 2 * CH_H, CH_H)
    to_out_w = lin(ks[4], EMB, EMB)
    to_out_b = jnp.zeros((EMB,), jnp.float32)
    conv2_w = lin(ks[5], EMB, 2 * EMB)
    bn2_g = jnp.ones((EMB,), jnp.float32)
    bn2_b = jnp.zeros((EMB,), jnp.float32)
    return {"x": x, "obj_dict": obj_dict, "bg_dict": bg_dict, "rand_inds": rand_inds,
            "conv1_w": conv1_w, "bn1_g": bn1_g, "bn1_b": bn1_b,
            "to_q_w": to_q_w, "to_kv_w": to_kv_w, "to_out_w": to_out_w, "to_out_b": to_out_b,
            "conv2_w": conv2_w, "bn2_g": bn2_g, "bn2_b": bn2_b}


def _bn(x, g, b):
    m = x.mean(axis=(0, 2, 3), keepdims=True)
    v = x.var(axis=(0, 2, 3), keepdims=True)
    return (x - m) / jnp.sqrt(v + 1e-5) * g.reshape(1, -1, 1, 1) + b.reshape(1, -1, 1, 1)


def reference(x, obj_dict, bg_dict, rand_inds, conv1_w, bn1_g, bn1_b,
              to_q_w, to_kv_w, to_out_w, to_out_b, conv2_w, bn2_g, bn2_b):
    # conv1 (1x1) + bn1 + relu
    x1 = jnp.einsum('bchw,oc->bohw', x, conv1_w)
    x1 = jax.nn.relu(_bn(x1, bn1_g, bn1_b))
    # PropAttention: input is detached (x.clone().detach() in torch)
    xa = lax.stop_gradient(x1)
    seqs = []
    pix_all = []
    for h in range(HEADS):
        flat = xa[0, h * CH_H:(h + 1) * CH_H].reshape(CH_H, NPIX)
        inds = rand_inds[h]
        pix = jnp.concatenate([jnp.take(obj_dict, inds[:NUM_OBJ], axis=0),
                               jnp.take(bg_dict, inds[NUM_OBJ:], axis=0)], axis=0)  # [CROP, CROP]
        pix_all.append(pix)
        g = flat[:, pix]  # [CH_H, CROP, CROP] gather
        seqs.append(jnp.transpose(g, (1, 2, 0)))  # [groups=CROP, pos=CROP, CH_H]
    out = jnp.concatenate(seqs, axis=0)  # [HEADS*CROP, CROP, CH_H]
    q = out @ to_q_w.T
    kv = out @ to_kv_w.T
    k_, v_ = jnp.split(kv, 2, axis=-1)
    dots = jnp.einsum('bie,bje->bij', q, k_) * (CH_H ** -0.5)
    attn = jax.nn.softmax(dots, axis=-1)
    o = jnp.einsum('bij,bje->bie', attn, v_)  # [HEADS*CROP, CROP, CH_H]
    # torch: out.view(heads*img_crop, -1, img_crop) -- raw memory reinterpret
    o = o.reshape(HEADS * CROP, CH_H, CROP)
    new_heads = []
    for h in range(HEADS):
        t = o[h * CROP:(h + 1) * CROP]  # [CROP, CH_H, CROP]
        flat = xa[0, h * CH_H:(h + 1) * CH_H].reshape(CH_H, NPIX)
        vals = jnp.transpose(t, (1, 0, 2)).reshape(CH_H, NPIX)
        flat = flat.at[:, pix_all[h].reshape(-1)].set(vals)  # scatter-overwrite
        new_heads.append(flat.reshape(1, CH_H, CROP, CROP))
    img = jnp.concatenate(new_heads, axis=1)  # [1, EMB, CROP, CROP]
    img = jnp.transpose(img, (0, 2, 3, 1))
    img = img @ to_out_w.T + to_out_b
    x_attn = jnp.transpose(img, (0, 3, 1, 2))
    x_attn = jax.nn.relu(x_attn)
    xc = jnp.concatenate([x_attn, x1], axis=1)  # [1, 2*EMB, CROP, CROP]
    out2 = jnp.einsum('bchw,oc->bohw', xc, conv2_w)
    out2 = jax.nn.relu(_bn(out2, bn2_g, bn2_b))
    return out2

if __name__ == "__main__":
    import jax
    _d = setup_inputs()
    print(jax.jit(kernel)(*tuple(_d.values())))

</pallas_src>

<mosaic_0001>
#map = affine_map<(d0, d1) -> (0, 0)>
#map1 = affine_map<(d0, d1) -> (0)>
module attributes {stable_mosaic.version = 14 : i64} {
  func.func @sc_gather(%arg0: i32, %arg1: i32, %arg2: memref<180000x128xf32, #tpu.memory_space<hbm>>, %arg3: memref<180224xi32, #tpu.memory_space<hbm>>, %arg4: memref<180224x128xf32, #tpu.memory_space<hbm>>, %arg5: memref<512xi32, #tpu.memory_space<vmem>>, %arg6: memref<512x128xf32, #tpu.memory_space<vmem>>, %arg7: memref<!tpu.dma_semaphore, #tpu.memory_space<semaphore_mem>>) attributes {dimension_semantics = [#tpu.dimension_semantics<core_parallel>, #tpu.dimension_semantics<subcore_parallel>], iteration_bounds = array<i64: 2, 16>, scalar_prefetch = 0 : i64, scratch_operands = 3 : i64, tpu.core_type = #tpu.core_type<sc_vector_subcore>, window_params = [{transform_indices = #map}, {transform_indices = #map1}, {transform_indices = #map}]} {
    %mul3A = arith.constant 2 : i32
    %mul3A_0 = arith.muli %arg1, %mul3A : i32
    %add3A = arith.addi %mul3A_0, %arg0 : i32
    %mul3A_1 = arith.constant 5632 : i32
    %mul3A_2 = arith.muli %add3A, %mul3A_1 : i32
    %add3A_3 = arith.constant 0 : i32
    %add3A_4 = arith.addi %mul3A_2, %add3A_3 : i32
    "tpu.region"() ({
      %run_scoped3A = tpu.sem_alloc : memref<!tpu.dma_semaphore, #tpu.memory_space<semaphore_mem>>
      %dma_start3A_89 = tpu.memref_slice %arg3[%add3A_4] : memref<180224xi32, #tpu.memory_space<hbm>> -> memref<512xi32, #tpu.memory_space<hbm>>
      %dma_start3A_90 = tpu.memref_slice %arg3[%add3A_4] : memref<180224xi32, #tpu.memory_space<hbm>> -> memref<512xi32, #tpu.memory_space<hbm>>
      tpu.enqueue_dma source(%dma_start3A_90 : memref<512xi32, #tpu.memory_space<hbm>>) target(%arg5 : memref<512xi32, #tpu.memory_space<vmem>>) target_semaphore(%run_scoped3A : memref<!tpu.dma_semaphore, #tpu.memory_space<semaphore_mem>>)
      %dma_wait3A_91 = tpu.memref_slice %arg3[%add3A_4] : memref<180224xi32, #tpu.memory_space<hbm>> -> memref<512xi32, #tpu.memory_space<hbm>>
      %dma_wait3A_92 = tpu.memref_slice %arg3[%add3A_4] : memref<180224xi32, #tpu.memory_space<hbm>> -> memref<512xi32, #tpu.memory_space<hbm>>
      tpu.wait_dma2 semaphore(%run_scoped3A : memref<!tpu.dma_semaphore, #tpu.memory_space<semaphore_mem>>) src(%dma_wait3A_92 : memref<512xi32, #tpu.memory_space<hbm>>) dst(%arg5 : memref<512xi32, #tpu.memory_space<vmem>>)
      tpu.yield
    }) : () -> ()
    %dma_start3A = arith.constant 0 : i32
    %dma_start3A_5 = arith.constant 0 : i32
    %dma_start3A_6 = tpu.memref_slice %arg2[%dma_start3A, %dma_start3A_5] : memref<180000x128xf32, #tpu.memory_space<hbm>> -> memref<180000x128xf32, #tpu.memory_space<hbm>>
    tpu.enqueue_indirect_dma source(%dma_start3A_6 : memref<180000x128xf32, #tpu.memory_space<hbm>>) target(%arg6 : memref<512x128xf32, #tpu.memory_space<vmem>>) offsets(%arg5 : memref<512xi32, #tpu.memory_space<vmem>>) semaphore(%arg7 : memref<!tpu.dma_semaphore, #tpu.memory_space<semaphore_mem>>)
    %dma_wait3A = arith.constant 0 : i32
    %dma_wait3A_7 = arith.constant 0 : i32
    %dma_wait3A_8 = tpu.memref_slice %arg2[%dma_wait3A, %dma_wait3A_7] : memref<180000x128xf32, #tpu.memory_space<hbm>> -> memref<180000x128xf32, #tpu.memory_space<hbm>>
    tpu.wait_indirect_dma semaphore(%arg7 : memref<!tpu.dma_semaphore, #tpu.memory_space<semaphore_mem>>) src(%dma_wait3A_8 : memref<180000x128xf32, #tpu.memory_space<hbm>>) dst(%arg6 : memref<512x128xf32, #tpu.memory_space<vmem>>)
    "tpu.region"() ({
      %run_scoped3A = tpu.sem_alloc : memref<!tpu.dma_semaphore, #tpu.memory_space<semaphore_mem>>
      %dma_start3A_89 = arith.constant 0 : i32
      %dma_start3A_90 = tpu.memref_slice %arg4[%add3A_4, %dma_start3A_89] : memref<180224x128xf32, #tpu.memory_space<hbm>> -> memref<512x128xf32, #tpu.memory_space<hbm>>
      %dma_start3A_91 = arith.constant 0 : i32
      %dma_start3A_92 = tpu.memref_slice %arg4[%add3A_4, %dma_start3A_91] : memref<180224x128xf32, #tpu.memory_space<hbm>> -> memref<512x128xf32, #tpu.memory_space<hbm>>
      tpu.enqueue_dma source(%arg6 : memref<512x128xf32, #tpu.memory_space<vmem>>) target(%dma_start3A_92 : memref<512x128xf32, #tpu.memory_space<hbm>>) target_semaphore(%run_scoped3A : memref<!tpu.dma_semaphore, #tpu.memory_space<semaphore_mem>>)
      %dma_wait3A_93 = arith.constant 0 : i32
      %dma_wait3A_94 = tpu.memref_slice %arg4[%add3A_4, %dma_wait3A_93] : memref<180224x128xf32, #tpu.memory_space<hbm>> -> memref<512x128xf32, #tpu.memory_space<hbm>>
      %dma_wait3A_95 = arith.constant 0 : i32
      %dma_wait3A_96 = tpu.memref_slice %arg4[%add3A_4, %dma_wait3A_95] : memref<180224x128xf32, #tpu.memory_space<hbm>> -> memref<512x128xf32, #tpu.memory_space<hbm>>
      tpu.wait_dma2 semaphore(%run_scoped3A : memref<!tpu.dma_semaphore, #tpu.memory_space<semaphore_mem>>) src(%arg6 : memref<512x128xf32, #tpu.memory_space<vmem>>) dst(%dma_wait3A_96 : memref<512x128xf32, #tpu.memory_space<hbm>>)
      tpu.yield
    }) : () -> ()
    %add3A_9 = arith.constant 512 : i32
    %add3A_10 = arith.addi %mul3A_2, %add3A_9 : i32
    "tpu.region"() ({
      %run_scoped3A = tpu.sem_alloc : memref<!tpu.dma_semaphore, #tpu.memory_space<semaphore_mem>>
      %dma_start3A_89 = tpu.memref_slice %arg3[%add3A_10] : memref<180224xi32, #tpu.memory_space<hbm>> -> memref<512xi32, #tpu.memory_space<hbm>>
      %dma_start3A_90 = tpu.memref_slice %arg3[%add3A_10] : memref<180224xi32, #tpu.memory_space<hbm>> -> memref<512xi32, #tpu.memory_space<hbm>>
      tpu.enqueue_dma source(%dma_start3A_90 : memref<512xi32, #tpu.memory_space<hbm>>) target(%arg5 : memref<512xi32, #tpu.memory_space<vmem>>) target_semaphore(%run_scoped3A : memref<!tpu.dma_semaphore, #tpu.memory_space<semaphore_mem>>)
      %dma_wait3A_91 = tpu.memref_slice %arg3[%add3A_10] : memref<180224xi32, #tpu.memory_space<hbm>> -> memref<512xi32, #tpu.memory_space<hbm>>
      %dma_wait3A_92 = tpu.memref_slice %arg3[%add3A_10] : memref<180224xi32, #tpu.memory_space<hbm>> -> memref<512xi32, #tpu.memory_space<hbm>>
      tpu.wait_dma2 semaphore(%run_scoped3A : memref<!tpu.dma_semaphore, #tpu.memory_space<semaphore_mem>>) src(%dma_wait3A_92 : memref<512xi32, #tpu.memory_space<hbm>>) dst(%arg5 : memref<512xi32, #tpu.memory_space<vmem>>)
      tpu.yield
    }) : () -> ()
    %dma_start3A_11 = arith.constant 0 : i32
    %dma_start3A_12 = arith.constant 0 : i32
    %dma_start3A_13 = tpu.memref_slice %arg2[%dma_start3A_11, %dma_start3A_12] : memref<180000x128xf32, #tpu.memory_space<hbm>> -> memref<180000x128xf32, #tpu.memory_space<hbm>>
    tpu.enqueue_indirect_dma source(%dma_start3A_13 : memref<180000x128xf32, #tpu.memory_space<hbm>>) target(%arg6 : memref<512x128xf32, #tpu.memory_space<vmem>>) offsets(%arg5 : memref<512xi32, #tpu.memory_space<vmem>>) semaphore(%arg7 : memref<!tpu.dma_semaphore, #tpu.memory_space<semaphore_mem>>)
    %dma_wait3A_14 = arith.constant 0 : i32
    %dma_wait3A_15 = arith.constant 0 : i32
    %dma_wait3A_16 = tpu.memref_slice %arg2[%dma_wait3A_14, %dma_wait3A_15] : memref<180000x128xf32, #tpu.memory_space<hbm>> -> memref<180000x128xf32, #tpu.memory_space<hbm>>
    tpu.wait_indirect_dma semaphore(%arg7 : memref<!tpu.dma_semaphore, #tpu.memory_space<semaphore_mem>>) src(%dma_wait3A_16 : memref<180000x128xf32, #tpu.memory_space<hbm>>) dst(%arg6 : memref<512x128xf32, #tpu.memory_space<vmem>>)
    "tpu.region"() ({
      %run_scoped3A = tpu.sem_alloc : memref<!tpu.dma_semaphore, #tpu.memory_space<semaphore_mem>>
      %dma_start3A_89 = arith.constant 0 : i32
      %dma_start3A_90 = tpu.memref_slice %arg4[%add3A_10, %dma_start3A_89] : memref<180224x128xf32, #tpu.memory_space<hbm>> -> memref<512x128xf32, #tpu.memory_space<hbm>>
      %dma_start3A_91 = arith.constant 0 : i32
      %dma_start3A_92 = tpu.memref_slice %arg4[%add3A_10, %dma_start3A_91] : memref<180224x128xf32, #tpu.memory_space<hbm>> -> memref<512x128xf32, #tpu.memory_space<hbm>>
      tpu.enqueue_dma source(%arg6 : memref<512x128xf32, #tpu.memory_space<vmem>>) target(%dma_start3A_92 : memref<512x128xf32, #tpu.memory_space<hbm>>) target_semaphore(%run_scoped3A : memref<!tpu.dma_semaphore, #tpu.memory_space<semaphore_mem>>)
      %dma_wait3A_93 = arith.constant 0 : i32
      %dma_wait3A_94 = tpu.memref_slice %arg4[%add3A_10, %dma_wait3A_93] : memref<180224x128xf32, #tpu.memory_space<hbm>> -> memref<512x128xf32, #tpu.memory_space<hbm>>
      %dma_wait3A_95 = arith.constant 0 : i32
      %dma_wait3A_96 = tpu.memref_slice %arg4[%add3A_10, %dma_wait3A_95] : memref<180224x128xf32, #tpu.memory_space<hbm>> -> memref<512x128xf32, #tpu.memory_space<hbm>>
      tpu.wait_dma2 semaphore(%run_scoped3A : memref<!tpu.dma_semaphore, #tpu.memory_space<semaphore_mem>>) src(%arg6 : memref<512x128xf32, #tpu.memory_space<vmem>>) dst(%dma_wait3A_96 : memref<512x128xf32, #tpu.memory_space<hbm>>)
      tpu.yield
    }) : () -> ()
    %add3A_17 = arith.constant 1024 : i32
    %add3A_18 = arith.addi %mul3A_2, %add3A_17 : i32
    "tpu.region"() ({
      %run_scoped3A = tpu.sem_alloc : memref<!tpu.dma_semaphore, #tpu.memory_space<semaphore_mem>>
      %dma_start3A_89 = tpu.memref_slice %arg3[%add3A_18] : memref<180224xi32, #tpu.memory_space<hbm>> -> memref<512xi32, #tpu.memory_space<hbm>>
      %dma_start3A_90 = tpu.memref_slice %arg3[%add3A_18] : memref<180224xi32, #tpu.memory_space<hbm>> -> memref<512xi32, #tpu.memory_space<hbm>>
      tpu.enqueue_dma source(%dma_start3A_90 : memref<512xi32, #tpu.memory_space<hbm>>) target(%arg5 : memref<512xi32, #tpu.memory_space<vmem>>) target_semaphore(%run_scoped3A : memref<!tpu.dma_semaphore, #tpu.memory_space<semaphore_mem>>)
      %dma_wait3A_91 = tpu.memref_slice %arg3[%add3A_18] : memref<180224xi32, #tpu.memory_space<hbm>> -> memref<512xi32, #tpu.memory_space<hbm>>
      %dma_wait3A_92 = tpu.memref_slice %arg3[%add3A_18] : memref<180224xi32, #tpu.memory_space<hbm>> -> memref<512xi32, #tpu.memory_space<hbm>>
      tpu.wait_dma2 semaphore(%run_scoped3A : memref<!tpu.dma_semaphore, #tpu.memory_space<semaphore_mem>>) src(%dma_wait3A_92 : memref<512xi32, #tpu.memory_space<hbm>>) dst(%arg5 : memref<512xi32, #tpu.memory_space<vmem>>)
      tpu.yield
    }) : () -> ()
    %dma_start3A_19 = arith.constant 0 : i32
    %dma_start3A_20 = arith.constant 0 : i32
    %dma_start3A_21 = tpu.memref_slice %arg2[%dma_start3A_19, %dma_start3A_20] : memref<180000x128xf32, #tpu.memory_space<hbm>> -> memref<180000x128xf32, #tpu.memory_space<hbm>>
    tpu.enqueue_indirect_dma source(%dma_start3A_21 : memref<180000x128xf32, #tpu.memory_space<hbm>>) target(%arg6 : memref<512x128xf32, #tpu.memory_space<vmem>>) offsets(%arg5 : memref<512xi32, #tpu.memory_space<vmem>>) semaphore(%arg7 : memref<!tpu.dma_semaphore, #tpu.memory_space<semaphore_mem>>)
    %dma_wait3A_22 = arith.constant 0 : i32
    %dma_wait3A_23 = arith.constant 0 : i32
    %dma_wait3A_24 = tpu.memref_slice %arg2[%dma_wait3A_22, %dma_wait3A_23] : memref<180000x128xf32, #tpu.memory_space<hbm>> -> memref<180000x128xf32, #tpu.memory_space<hbm>>
    tpu.wait_indirect_dma semaphore(%arg7 : memref<!tpu.dma_semaphore, #tpu.memory_space<semaphore_mem>>) src(%dma_wait3A_24 : memref<180000x128xf32, #tpu.memory_space<hbm>>) dst(%arg6 : memref<512x128xf32, #tpu.memory_space<vmem>>)
    "tpu.region"() ({
      %run_scoped3A = tpu.sem_alloc : memref<!tpu.dma_semaphore, #tpu.memory_space<semaphore_mem>>
      %dma_start3A_89 = arith.constant 0 : i32
      %dma_start3A_90 = tpu.memref_slice %arg4[%add3A_18, %dma_start3A_89] : memref<180224x128xf32, #tpu.memory_space<hbm>> -> memref<512x128xf32, #tpu.memory_space<hbm>>
      %dma_start3A_91 = arith.constant 0 : i32
      %dma_start3A_92 = tpu.memref_slice %arg4[%add3A_18, %dma_start3A_91] : memref<180224x128xf32, #tpu.memory_space<hbm>> -> memref<512x128xf32, #tpu.memory_space<hbm>>
      tpu.enqueue_dma source(%arg6 : memref<512x128xf32, #tpu.memory_space<vmem>>) target(%dma_start3A_92 : memref<512x128xf32, #tpu.memory_space<hbm>>) target_semaphore(%run_scoped3A : memref<!tpu.dma_semaphore, #tpu.memory_space<semaphore_mem>>)
      %dma_wait3A_93 = arith.constant 0 : i32
      %dma_wait3A_94 = tpu.memref_slice %arg4[%add3A_18, %dma_wait3A_93] : memref<180224x128xf32, #tpu.memory_space<hbm>> -> memref<512x128xf32, #tpu.memory_space<hbm>>
      %dma_wait3A_95 = arith.constant 0 : i32
      %dma_wait3A_96 = tpu.memref_slice %arg4[%add3A_18, %dma_wait3A_95] : memref<180224x128xf32, #tpu.memory_space<hbm>> -> memref<512x128xf32, #tpu.memory_space<hbm>>
      tpu.wait_dma2 semaphore(%run_scoped3A : memref<!tpu.dma_semaphore, #tpu.memory_space<semaphore_mem>>) src(%arg6 : memref<512x128xf32, #tpu.memory_space<vmem>>) dst(%dma_wait3A_96 : memref<512x128xf32, #tpu.memory_space<hbm>>)
      tpu.yield
    }) : () -> ()
    %add3A_25 = arith.constant 1536 : i32
    %add3A_26 = arith.addi %mul3A_2, %add3A_25 : i32
    "tpu.region"() ({
      %run_scoped3A = tpu.sem_alloc : memref<!tpu.dma_semaphore, #tpu.memory_space<semaphore_mem>>
      %dma_start3A_89 = tpu.memref_slice %arg3[%add3A_26] : memref<180224xi32, #tpu.memory_space<hbm>> -> memref<512xi32, #tpu.memory_space<hbm>>
      %dma_start3A_90 = tpu.memref_slice %arg3[%add3A_26] : memref<180224xi32, #tpu.memory_space<hbm>> -> memref<512xi32, #tpu.memory_space<hbm>>
      tpu.enqueue_dma source(%dma_start3A_90 : memref<512xi32, #tpu.memory_space<hbm>>) target(%arg5 : memref<512xi32, #tpu.memory_space<vmem>>) target_semaphore(%run_scoped3A : memref<!tpu.dma_semaphore, #tpu.memory_space<semaphore_mem>>)
      %dma_wait3A_91 = tpu.memref_slice %arg3[%add3A_26] : memref<180224xi32, #tpu.memory_space<hbm>> -> memref<512xi32, #tpu.memory_space<hbm>>
      %dma_wait3A_92 = tpu.memref_slice %arg3[%add3A_26] : memref<180224xi32, #tpu.memory_space<hbm>> -> memref<512xi32, #tpu.memory_space<hbm>>
      tpu.wait_dma2 semaphore(%run_scoped3A : memref<!tpu.dma_semaphore, #tpu.memory_space<semaphore_mem>>) src(%dma_wait3A_92 : memref<512xi32, #tpu.memory_space<hbm>>) dst(%arg5 : memref<512xi32, #tpu.memory_space<vmem>>)
      tpu.yield
    }) : () -> ()
    %dma_start3A_27 = arith.constant 0 : i32
    %dma_start3A_28 = arith.constant 0 : i32
    %dma_start3A_29 = tpu.memref_slice %arg2[%dma_start3A_27, %dma_start3A_28] : memref<180000x128xf32, #tpu.memory_space<hbm>> -> memref<180000x128xf32, #tpu.memory_space<hbm>>
    tpu.enqueue_indirect_dma source(%dma_start3A_29 : memref<180000x128xf32, #tpu.memory_space<hbm>>) target(%arg6 : memref<512x128xf32, #tpu.memory_space<vmem>>) offsets(%arg5 : memref<512xi32, #tpu.memory_space<vmem>>) semaphore(%arg7 : memref<!tpu.dma_semaphore, #tpu.memory_space<semaphore_mem>>)
    %dma_wait3A_30 = arith.constant 0 : i32
    %dma_wait3A_31 = arith.constant 0 : i32
    %dma_wait3A_32 = tpu.memref_slice %arg2[%dma_wait3A_30, %dma_wait3A_31] : memref<180000x128xf32, #tpu.memory_space<hbm>> -> memref<180000x128xf32, #tpu.memory_space<hbm>>
    tpu.wait_indirect_dma semaphore(%arg7 : memref<!tpu.dma_semaphore, #tpu.memory_space<semaphore_mem>>) src(%dma_wait3A_32 : memref<180000x128xf32, #tpu.memory_space<hbm>>) dst(%arg6 : memref<512x128xf32, #tpu.memory_space<vmem>>)
    "tpu.region"() ({
      %run_scoped3A = tpu.sem_alloc : memref<!tpu.dma_semaphore, #tpu.memory_space<semaphore_mem>>
      %dma_start3A_89 = arith.constant 0 : i32
      %dma_start3A_90 = tpu.memref_slice %arg4[%add3A_26, %dma_start3A_89] : memref<180224x128xf32, #tpu.memory_space<hbm>> -> memref<512x128xf32, #tpu.memory_space<hbm>>
      %dma_start3A_91 = arith.constant 0 : i32
      %dma_start3A_92 = tpu.memref_slice %arg4[%add3A_26, %dma_start3A_91] : memref<180224x128xf32, #tpu.memory_space<hbm>> -> memref<512x128xf32, #tpu.memory_space<hbm>>
      tpu.enqueue_dma source(%arg6 : memref<512x128xf32, #tpu.memory_space<vmem>>) target(%dma_start3A_92 : memref<512x128xf32, #tpu.memory_space<hbm>>) target_semaphore(%run_scoped3A : memref<!tpu.dma_semaphore, #tpu.memory_space<semaphore_mem>>)
      %dma_wait3A_93 = arith.constant 0 : i32
      %dma_wait3A_94 = tpu.memref_slice %arg4[%add3A_26, %dma_wait3A_93] : memref<180224x128xf32, #tpu.memory_space<hbm>> -> memref<512x128xf32, #tpu.memory_space<hbm>>
      %dma_wait3A_95 = arith.constant 0 : i32
      %dma_wait3A_96 = tpu.memref_slice %arg4[%add3A_26, %dma_wait3A_95] : memref<180224x128xf32, #tpu.memory_space<hbm>> -> memref<512x128xf32, #tpu.memory_space<hbm>>
      tpu.wait_dma2 semaphore(%run_scoped3A : memref<!tpu.dma_semaphore, #tpu.memory_space<semaphore_mem>>) src(%arg6 : memref<512x128xf32, #tpu.memory_space<vmem>>) dst(%dma_wait3A_96 : memref<512x128xf32, #tpu.memory_space<hbm>>)
      tpu.yield
    }) : () -> ()
    %add3A_33 = arith.constant 2048 : i32
    %add3A_34 = arith.addi %mul3A_2, %add3A_33 : i32
    "tpu.region"() ({
      %run_scoped3A = tpu.sem_alloc : memref<!tpu.dma_semaphore, #tpu.memory_space<semaphore_mem>>
      %dma_start3A_89 = tpu.memref_slice %arg3[%add3A_34] : memref<180224xi32, #tpu.memory_space<hbm>> -> memref<512xi32, #tpu.memory_space<hbm>>
      %dma_start3A_90 = tpu.memref_slice %arg3[%add3A_34] : memref<180224xi32, #tpu.memory_space<hbm>> -> memref<512xi32, #tpu.memory_space<hbm>>
      tpu.enqueue_dma source(%dma_start3A_90 : memref<512xi32, #tpu.memory_space<hbm>>) target(%arg5 : memref<512xi32, #tpu.memory_space<vmem>>) target_semaphore(%run_scoped3A : memref<!tpu.dma_semaphore, #tpu.memory_space<semaphore_mem>>)
      %dma_wait3A_91 = tpu.memref_slice %arg3[%add3A_34] : memref<180224xi32, #tpu.memory_space<hbm>> -> memref<512xi32, #tpu.memory_space<hbm>>
      %dma_wait3A_92 = tpu.memref_slice %arg3[%add3A_34] : memref<180224xi32, #tpu.memory_space<hbm>> -> memref<512xi32, #tpu.memory_space<hbm>>
      tpu.wait_dma2 semaphore(%run_scoped3A : memref<!tpu.dma_semaphore, #tpu.memory_space<semaphore_mem>>) src(%dma_wait3A_92 : memref<512xi32, #tpu.memory_space<hbm>>) dst(%arg5 : memref<512xi32, #tpu.memory_space<vmem>>)
      tpu.yield
    }) : () -> ()
    %dma_start3A_35 = arith.constant 0 : i32
    %dma_start3A_36 = arith.constant 0 : i32
    %dma_start3A_37 = tpu.memref_slice %arg2[%dma_start3A_35, %dma_start3A_36] : memref<180000x128xf32, #tpu.memory_space<hbm>> -> memref<180000x128xf32, #tpu.memory_space<hbm>>
    tpu.enqueue_indirect_dma source(%dma_start3A_37 : memref<180000x128xf32, #tpu.memory_space<hbm>>) target(%arg6 : memref<512x128xf32, #tpu.memory_space<vmem>>) offsets(%arg5 : memref<512xi32, #tpu.memory_space<vmem>>) semaphore(%arg7 : memref<!tpu.dma_semaphore, #tpu.memory_space<semaphore_mem>>)
    %dma_wait3A_38 = arith.constant 0 : i32
    %dma_wait3A_39 = arith.constant 0 : i32
    %dma_wait3A_40 = tpu.memref_slice %arg2[%dma_wait3A_38, %dma_wait3A_39] : memref<180000x128xf32, #tpu.memory_space<hbm>> -> memref<180000x128xf32, #tpu.memory_space<hbm>>
    tpu.wait_indirect_dma semaphore(%arg7 : memref<!tpu.dma_semaphore, #tpu.memory_space<semaphore_mem>>) src(%dma_wait3A_40 : memref<180000x128xf32, #tpu.memory_space<hbm>>) dst(%arg6 : memref<512x128xf32, #tpu.memory_space<vmem>>)
    "tpu.region"() ({
      %run_scoped3A = tpu.sem_alloc : memref<!tpu.dma_semaphore, #tpu.memory_space<semaphore_mem>>
      %dma_start3A_89 = arith.constant 0 : i32
      %dma_start3A_90 = tpu.memref_slice %arg4[%add3A_34, %dma_start3A_89] : memref<180224x128xf32, #tpu.memory_space<hbm>> -> memref<512x128xf32, #tpu.memory_space<hbm>>
      %dma_start3A_91 = arith.constant 0 : i32
      %dma_start3A_92 = tpu.memref_slice %arg4[%add3A_34, %dma_start3A_91] : memref<180224x128xf32, #tpu.memory_space<hbm>> -> memref<512x128xf32, #tpu.memory_space<hbm>>
      tpu.enqueue_dma source(%arg6 : memref<512x128xf32, #tpu.memory_space<vmem>>) target(%dma_start3A_92 : memref<512x128xf32, #tpu.memory_space<hbm>>) target_semaphore(%run_scoped3A : memref<!tpu.dma_semaphore, #tpu.memory_space<semaphore_mem>>)
      %dma_wait3A_93 = arith.constant 0 : i32
      %dma_wait3A_94 = tpu.memref_slice %arg4[%add3A_34, %dma_wait3A_93] : memref<180224x128xf32, #tpu.memory_space<hbm>> -> memref<512x128xf32, #tpu.memory_space<hbm>>
      %dma_wait3A_95 = arith.constant 0 : i32
      %dma_wait3A_96 = tpu.memref_slice %arg4[%add3A_34, %dma_wait3A_95] : memref<180224x128xf32, #tpu.memory_space<hbm>> -> memref<512x128xf32, #tpu.memory_space<hbm>>
      tpu.wait_dma2 semaphore(%run_scoped3A : memref<!tpu.dma_semaphore, #tpu.memory_space<semaphore_mem>>) src(%arg6 : memref<512x128xf32, #tpu.memory_space<vmem>>) dst(%dma_wait3A_96 : memref<512x128xf32, #tpu.memory_space<hbm>>)
      tpu.yield
    }) : () -> ()
    %add3A_41 = arith.constant 2560 : i32
    %add3A_42 = arith.addi %mul3A_2, %add3A_41 : i32
    "tpu.region"() ({
      %run_scoped3A = tpu.sem_alloc : memref<!tpu.dma_semaphore, #tpu.memory_space<semaphore_mem>>
      %dma_start3A_89 = tpu.memref_slice %arg3[%add3A_42] : memref<180224xi32, #tpu.memory_space<hbm>> -> memref<512xi32, #tpu.memory_space<hbm>>
      %dma_start3A_90 = tpu.memref_slice %arg3[%add3A_42] : memref<180224xi32, #tpu.memory_space<hbm>> -> memref<512xi32, #tpu.memory_space<hbm>>
      tpu.enqueue_dma source(%dma_start3A_90 : memref<512xi32, #tpu.memory_space<hbm>>) target(%arg5 : memref<512xi32, #tpu.memory_space<vmem>>) target_semaphore(%run_scoped3A : memref<!tpu.dma_semaphore, #tpu.memory_space<semaphore_mem>>)
      %dma_wait3A_91 = tpu.memref_slice %arg3[%add3A_42] : memref<180224xi32, #tpu.memory_space<hbm>> -> memref<512xi32, #tpu.memory_space<hbm>>
      %dma_wait3A_92 = tpu.memref_slice %arg3[%add3A_42] : memref<180224xi32, #tpu.memory_space<hbm>> -> memref<512xi32, #tpu.memory_space<hbm>>
      tpu.wait_dma2 semaphore(%run_scoped3A : memref<!tpu.dma_semaphore, #tpu.memory_space<semaphore_mem>>) src(%dma_wait3A_92 : memref<512xi32, #tpu.memory_space<hbm>>) dst(%arg5 : memref<512xi32, #tpu.memory_space<vmem>>)
      tpu.yield
    }) : () -> ()
    %dma_start3A_43 = arith.constant 0 : i32
    %dma_start3A_44 = arith.constant 0 : i32
    %dma_start3A_45 = tpu.memref_slice %arg2[%dma_start3A_43, %dma_start3A_44] : memref<180000x128xf32, #tpu.memory_space<hbm>> -> memref<180000x128xf32, #tpu.memory_space<hbm>>
    tpu.enqueue_indirect_dma source(%dma_start3A_45 : memref<180000x128xf32, #tpu.memory_space<hbm>>) target(%arg6 : memref<512x128xf32, #tpu.memory_space<vmem>>) offsets(%arg5 : memref<512xi32, #tpu.memory_space<vmem>>) semaphore(%arg7 : memref<!tpu.dma_semaphore, #tpu.memory_space<semaphore_mem>>)
    %dma_wait3A_46 = arith.constant 0 : i32
    %dma_wait3A_47 = arith.constant 0 : i32
    %dma_wait3A_48 = tpu.memref_slice %arg2[%dma_wait3A_46, %dma_wait3A_47] : memref<180000x128xf32, #tpu.memory_space<hbm>> -> memref<180000x128xf32, #tpu.memory_space<hbm>>
    tpu.wait_indirect_dma semaphore(%arg7 : memref<!tpu.dma_semaphore, #tpu.memory_space<semaphore_mem>>) src(%dma_wait3A_48 : memref<180000x128xf32, #tpu.memory_space<hbm>>) dst(%arg6 : memref<512x128xf32, #tpu.memory_space<vmem>>)
    "tpu.region"() ({
      %run_scoped3A = tpu.sem_alloc : memref<!tpu.dma_semaphore, #tpu.memory_space<semaphore_mem>>
      %dma_start3A_89 = arith.constant 0 : i32
      %dma_start3A_90 = tpu.memref_slice %arg4[%add3A_42, %dma_start3A_89] : memref<180224x128xf32, #tpu.memory_space<hbm>> -> memref<512x128xf32, #tpu.memory_space<hbm>>
      %dma_start3A_91 = arith.constant 0 : i32
      %dma_start3A_92 = tpu.memref_slice %arg4[%add3A_42, %dma_start3A_91] : memref<180224x128xf32, #tpu.memory_space<hbm>> -> memref<512x128xf32, #tpu.memory_space<hbm>>
      tpu.enqueue_dma source(%arg6 : memref<512x128xf32, #tpu.memory_space<vmem>>) target(%dma_start3A_92 : memref<512x128xf32, #tpu.memory_space<hbm>>) target_semaphore(%run_scoped3A : memref<!tpu.dma_semaphore, #tpu.memory_space<semaphore_mem>>)
      %dma_wait3A_93 = arith.constant 0 : i32
      %dma_wait3A_94 = tpu.memref_slice %arg4[%add3A_42, %dma_wait3A_93] : memref<180224x128xf32, #tpu.memory_space<hbm>> -> memref<512x128xf32, #tpu.memory_space<hbm>>
      %dma_wait3A_95 = arith.constant 0 : i32
      %dma_wait3A_96 = tpu.memref_slice %arg4[%add3A_42, %dma_wait3A_95] : memref<180224x128xf32, #tpu.memory_space<hbm>> -> memref<512x128xf32, #tpu.memory_space<hbm>>
      tpu.wait_dma2 semaphore(%run_scoped3A : memref<!tpu.dma_semaphore, #tpu.memory_space<semaphore_mem>>) src(%arg6 : memref<512x128xf32, #tpu.memory_space<vmem>>) dst(%dma_wait3A_96 : memref<512x128xf32, #tpu.memory_space<hbm>>)
      tpu.yield
    }) : () -> ()
    %add3A_49 = arith.constant 3072 : i32
    %add3A_50 = arith.addi %mul3A_2, %add3A_49 : i32
    "tpu.region"() ({
      %run_scoped3A = tpu.sem_alloc : memref<!tpu.dma_semaphore, #tpu.memory_space<semaphore_mem>>
      %dma_start3A_89 = tpu.memref_slice %arg3[%add3A_50] : memref<180224xi32, #tpu.memory_space<hbm>> -> memref<512xi32, #tpu.memory_space<hbm>>
      %dma_start3A_90 = tpu.memref_slice %arg3[%add3A_50] : memref<180224xi32, #tpu.memory_space<hbm>> -> memref<512xi32, #tpu.memory_space<hbm>>
      tpu.enqueue_dma source(%dma_start3A_90 : memref<512xi32, #tpu.memory_space<hbm>>) target(%arg5 : memref<512xi32, #tpu.memory_space<vmem>>) target_semaphore(%run_scoped3A : memref<!tpu.dma_semaphore, #tpu.memory_space<semaphore_mem>>)
      %dma_wait3A_91 = tpu.memref_slice %arg3[%add3A_50] : memref<180224xi32, #tpu.memory_space<hbm>> -> memref<512xi32, #tpu.memory_space<hbm>>
      %dma_wait3A_92 = tpu.memref_slice %arg3[%add3A_50] : memref<180224xi32, #tpu.memory_space<hbm>> -> memref<512xi32, #tpu.memory_space<hbm>>
      tpu.wait_dma2 semaphore(%run_scoped3A : memref<!tpu.dma_semaphore, #tpu.memory_space<semaphore_mem>>) src(%dma_wait3A_92 : memref<512xi32, #tpu.memory_space<hbm>>) dst(%arg5 : memref<512xi32, #tpu.memory_space<vmem>>)
      tpu.yield
    }) : () -> ()
    %dma_start3A_51 = arith.constant 0 : i32
    %dma_start3A_52 = arith.constant 0 : i32
    %dma_start3A_53 = tpu.memref_slice %arg2[%dma_start3A_51, %dma_start3A_52] : memref<180000x128xf32, #tpu.memory_space<hbm>> -> memref<180000x128xf32, #tpu.memory_space<hbm>>
    tpu.enqueue_indirect_dma source(%dma_start3A_53 : memref<180000x128xf32, #tpu.memory_space<hbm>>) target(%arg6 : memref<512x128xf32, #tpu.memory_space<vmem>>) offsets(%arg5 : memref<512xi32, #tpu.memory_space<vmem>>) semaphore(%arg7 : memref<!tpu.dma_semaphore, #tpu.memory_space<semaphore_mem>>)
    %dma_wait3A_54 = arith.constant 0 : i32
    %dma_wait3A_55 = arith.constant 0 : i32
    %dma_wait3A_56 = tpu.memref_slice %arg2[%dma_wait3A_54, %dma_wait3A_55] : memref<180000x128xf32, #tpu.memory_space<hbm>> -> memref<180000x128xf32, #tpu.memory_space<hbm>>
    tpu.wait_indirect_dma semaphore(%arg7 : memref<!tpu.dma_semaphore, #tpu.memory_space<semaphore_mem>>) src(%dma_wait3A_56 : memref<180000x128xf32, #tpu.memory_space<hbm>>) dst(%arg6 : memref<512x128xf32, #tpu.memory_space<vmem>>)
    "tpu.region"() ({
      %run_scoped3A = tpu.sem_alloc : memref<!tpu.dma_semaphore, #tpu.memory_space<semaphore_mem>>
      %dma_start3A_89 = arith.constant 0 : i32
      %dma_start3A_90 = tpu.memref_slice %arg4[%add3A_50, %dma_start3A_89] : memref<180224x128xf32, #tpu.memory_space<hbm>> -> memref<512x128xf32, #tpu.memory_space<hbm>>
      %dma_start3A_91 = arith.constant 0 : i32
      %dma_start3A_92 = tpu.memref_slice %arg4[%add3A_50, %dma_start3A_91] : memref<180224x128xf32, #tpu.memory_space<hbm>> -> memref<512x128xf32, #tpu.memory_space<hbm>>
      tpu.enqueue_dma source(%arg6 : memref<512x128xf32, #tpu.memory_space<vmem>>) target(%dma_start3A_92 : memref<512x128xf32, #tpu.memory_space<hbm>>) target_semaphore(%run_scoped3A : memref<!tpu.dma_semaphore, #tpu.memory_space<semaphore_mem>>)
      %dma_wait3A_93 = arith.constant 0 : i32
      %dma_wait3A_94 = tpu.memref_slice %arg4[%add3A_50, %dma_wait3A_93] : memref<180224x128xf32, #tpu.memory_space<hbm>> -> memref<512x128xf32, #tpu.memory_space<hbm>>
      %dma_wait3A_95 = arith.constant 0 : i32
      %dma_wait3A_96 = tpu.memref_slice %arg4[%add3A_50, %dma_wait3A_95] : memref<180224x128xf32, #tpu.memory_space<hbm>> -> memref<512x128xf32, #tpu.memory_space<hbm>>
      tpu.wait_dma2 semaphore(%run_scoped3A : memref<!tpu.dma_semaphore, #tpu.memory_space<semaphore_mem>>) src(%arg6 : memref<512x128xf32, #tpu.memory_space<vmem>>) dst(%dma_wait3A_96 : memref<512x128xf32, #tpu.memory_space<hbm>>)
      tpu.yield
    }) : () -> ()
    %add3A_57 = arith.constant 3584 : i32
    %add3A_58 = arith.addi %mul3A_2, %add3A_57 : i32
    "tpu.region"() ({
      %run_scoped3A = tpu.sem_alloc : memref<!tpu.dma_semaphore, #tpu.memory_space<semaphore_mem>>
      %dma_start3A_89 = tpu.memref_slice %arg3[%add3A_58] : memref<180224xi32, #tpu.memory_space<hbm>> -> memref<512xi32, #tpu.memory_space<hbm>>
      %dma_start3A_90 = tpu.memref_slice %arg3[%add3A_58] : memref<180224xi32, #tpu.memory_space<hbm>> -> memref<512xi32, #tpu.memory_space<hbm>>
      tpu.enqueue_dma source(%dma_start3A_90 : memref<512xi32, #tpu.memory_space<hbm>>) target(%arg5 : memref<512xi32, #tpu.memory_space<vmem>>) target_semaphore(%run_scoped3A : memref<!tpu.dma_semaphore, #tpu.memory_space<semaphore_mem>>)
      %dma_wait3A_91 = tpu.memref_slice %arg3[%add3A_58] : memref<180224xi32, #tpu.memory_space<hbm>> -> memref<512xi32, #tpu.memory_space<hbm>>
      %dma_wait3A_92 = tpu.memref_slice %arg3[%add3A_58] : memref<180224xi32, #tpu.memory_space<hbm>> -> memref<512xi32, #tpu.memory_space<hbm>>
      tpu.wait_dma2 semaphore(%run_scoped3A : memref<!tpu.dma_semaphore, #tpu.memory_space<semaphore_mem>>) src(%dma_wait3A_92 : memref<512xi32, #tpu.memory_space<hbm>>) dst(%arg5 : memref<512xi32, #tpu.memory_space<vmem>>)
      tpu.yield
    }) : () -> ()
    %dma_start3A_59 = arith.constant 0 : i32
    %dma_start3A_60 = arith.constant 0 : i32
    %dma_start3A_61 = tpu.memref_slice %arg2[%dma_start3A_59, %dma_start3A_60] : memref<180000x128xf32, #tpu.memory_space<hbm>> -> memref<180000x128xf32, #tpu.memory_space<hbm>>
    tpu.enqueue_indirect_dma source(%dma_start3A_61 : memref<180000x128xf32, #tpu.memory_space<hbm>>) target(%arg6 : memref<512x128xf32, #tpu.memory_space<vmem>>) offsets(%arg5 : memref<512xi32, #tpu.memory_space<vmem>>) semaphore(%arg7 : memref<!tpu.dma_semaphore, #tpu.memory_space<semaphore_mem>>)
    %dma_wait3A_62 = arith.constant 0 : i32
    %dma_wait3A_63 = arith.constant 0 : i32
    %dma_wait3A_64 = tpu.memref_slice %arg2[%dma_wait3A_62, %dma_wait3A_63] : memref<180000x128xf32, #tpu.memory_space<hbm>> -> memref<180000x128xf32, #tpu.memory_space<hbm>>
    tpu.wait_indirect_dma semaphore(%arg7 : memref<!tpu.dma_semaphore, #tpu.memory_space<semaphore_mem>>) src(%dma_wait3A_64 : memref<180000x128xf32, #tpu.memory_space<hbm>>) dst(%arg6 : memref<512x128xf32, #tpu.memory_space<vmem>>)
    "tpu.region"() ({
      %run_scoped3A = tpu.sem_alloc : memref<!tpu.dma_semaphore, #tpu.memory_space<semaphore_mem>>
      %dma_start3A_89 = arith.constant 0 : i32
      %dma_start3A_90 = tpu.memref_slice %arg4[%add3A_58, %dma_start3A_89] : memref<180224x128xf32, #tpu.memory_space<hbm>> -> memref<512x128xf32, #tpu.memory_space<hbm>>
      %dma_start3A_91 = arith.constant 0 : i32
      %dma_start3A_92 = tpu.memref_slice %arg4[%add3A_58, %dma_start3A_91] : memref<180224x128xf32, #tpu.memory_space<hbm>> -> memref<512x128xf32, #tpu.memory_space<hbm>>
      tpu.enqueue_dma source(%arg6 : memref<512x128xf32, #tpu.memory_space<vmem>>) target(%dma_start3A_92 : memref<512x128xf32, #tpu.memory_space<hbm>>) target_semaphore(%run_scoped3A : memref<!tpu.dma_semaphore, #tpu.memory_space<semaphore_mem>>)
      %dma_wait3A_93 = arith.constant 0 : i32
      %dma_wait3A_94 = tpu.memref_slice %arg4[%add3A_58, %dma_wait3A_93] : memref<180224x128xf32, #tpu.memory_space<hbm>> -> memref<512x128xf32, #tpu.memory_space<hbm>>
      %dma_wait3A_95 = arith.constant 0 : i32
      %dma_wait3A_96 = tpu.memref_slice %arg4[%add3A_58, %dma_wait3A_95] : memref<180224x128xf32, #tpu.memory_space<hbm>> -> memref<512x128xf32, #tpu.memory_space<hbm>>
      tpu.wait_dma2 semaphore(%run_scoped3A : memref<!tpu.dma_semaphore, #tpu.memory_space<semaphore_mem>>) src(%arg6 : memref<512x128xf32, #tpu.memory_space<vmem>>) dst(%dma_wait3A_96 : memref<512x128xf32, #tpu.memory_space<hbm>>)
      tpu.yield
    }) : () -> ()
    %add3A_65 = arith.constant 4096 : i32
    %add3A_66 = arith.addi %mul3A_2, %add3A_65 : i32
    "tpu.region"() ({
      %run_scoped3A = tpu.sem_alloc : memref<!tpu.dma_semaphore, #tpu.memory_space<semaphore_mem>>
      %dma_start3A_89 = tpu.memref_slice %arg3[%add3A_66] : memref<180224xi32, #tpu.memory_space<hbm>> -> memref<512xi32, #tpu.memory_space<hbm>>
      %dma_start3A_90 = tpu.memref_slice %arg3[%add3A_66] : memref<180224xi32, #tpu.memory_space<hbm>> -> memref<512xi32, #tpu.memory_space<hbm>>
      tpu.enqueue_dma source(%dma_start3A_90 : memref<512xi32, #tpu.memory_space<hbm>>) target(%arg5 : memref<512xi32, #tpu.memory_space<vmem>>) target_semaphore(%run_scoped3A : memref<!tpu.dma_semaphore, #tpu.memory_space<semaphore_mem>>)
      %dma_wait3A_91 = tpu.memref_slice %arg3[%add3A_66] : memref<180224xi32, #tpu.memory_space<hbm>> -> memref<512xi32, #tpu.memory_space<hbm>>
      %dma_wait3A_92 = tpu.memref_slice %arg3[%add3A_66] : memref<180224xi32, #tpu.memory_space<hbm>> -> memref<512xi32, #tpu.memory_space<hbm>>
      tpu.wait_dma2 semaphore(%run_scoped3A : memref<!tpu.dma_semaphore, #tpu.memory_space<semaphore_mem>>) src(%dma_wait3A_92 : memref<512xi32, #tpu.memory_space<hbm>>) dst(%arg5 : memref<512xi32, #tpu.memory_space<vmem>>)
      tpu.yield
    }) : () -> ()
    %dma_start3A_67 = arith.constant 0 : i32
    %dma_start3A_68 = arith.constant 0 : i32
    %dma_start3A_69 = tpu.memref_slice %arg2[%dma_start3A_67, %dma_start3A_68] : memref<180000x128xf32, #tpu.memory_space<hbm>> -> memref<180000x128xf32, #tpu.memory_space<hbm>>
    tpu.enqueue_indirect_dma source(%dma_start3A_69 : memref<180000x128xf32, #tpu.memory_space<hbm>>) target(%arg6 : memref<512x128xf32, #tpu.memory_space<vmem>>) offsets(%arg5 : memref<512xi32, #tpu.memory_space<vmem>>) semaphore(%arg7 : memref<!tpu.dma_semaphore, #tpu.memory_space<semaphore_mem>>)
    %dma_wait3A_70 = arith.constant 0 : i32
    %dma_wait3A_71 = arith.constant 0 : i32
    %dma_wait3A_72 = tpu.memref_slice %arg2[%dma_wait3A_70, %dma_wait3A_71] : memref<180000x128xf32, #tpu.memory_space<hbm>> -> memref<180000x128xf32, #tpu.memory_space<hbm>>
    tpu.wait_indirect_dma semaphore(%arg7 : memref<!tpu.dma_semaphore, #tpu.memory_space<semaphore_mem>>) src(%dma_wait3A_72 : memref<180000x128xf32, #tpu.memory_space<hbm>>) dst(%arg6 : memref<512x128xf32, #tpu.memory_space<vmem>>)
    "tpu.region"() ({
      %run_scoped3A = tpu.sem_alloc : memref<!tpu.dma_semaphore, #tpu.memory_space<semaphore_mem>>
      %dma_start3A_89 = arith.constant 0 : i32
      %dma_start3A_90 = tpu.memref_slice %arg4[%add3A_66, %dma_start3A_89] : memref<180224x128xf32, #tpu.memory_space<hbm>> -> memref<512x128xf32, #tpu.memory_space<hbm>>
      %dma_start3A_91 = arith.constant 0 : i32
      %dma_start3A_92 = tpu.memref_slice %arg4[%add3A_66, %dma_start3A_91] : memref<180224x128xf32, #tpu.memory_space<hbm>> -> memref<512x128xf32, #tpu.memory_space<hbm>>
      tpu.enqueue_dma source(%arg6 : memref<512x128xf32, #tpu.memory_space<vmem>>) target(%dma_start3A_92 : memref<512x128xf32, #tpu.memory_space<hbm>>) target_semaphore(%run_scoped3A : memref<!tpu.dma_semaphore, #tpu.memory_space<semaphore_mem>>)
      %dma_wait3A_93 = arith.constant 0 : i32
      %dma_wait3A_94 = tpu.memref_slice %arg4[%add3A_66, %dma_wait3A_93] : memref<180224x128xf32, #tpu.memory_space<hbm>> -> memref<512x128xf32, #tpu.memory_space<hbm>>
      %dma_wait3A_95 = arith.constant 0 : i32
      %dma_wait3A_96 = tpu.memref_slice %arg4[%add3A_66, %dma_wait3A_95] : memref<180224x128xf32, #tpu.memory_space<hbm>> -> memref<512x128xf32, #tpu.memory_space<hbm>>
      tpu.wait_dma2 semaphore(%run_scoped3A : memref<!tpu.dma_semaphore, #tpu.memory_space<semaphore_mem>>) src(%arg6 : memref<512x128xf32, #tpu.memory_space<vmem>>) dst(%dma_wait3A_96 : memref<512x128xf32, #tpu.memory_space<hbm>>)
      tpu.yield
    }) : () -> ()
    %add3A_73 = arith.constant 4608 : i32
    %add3A_74 = arith.addi %mul3A_2, %add3A_73 : i32
    "tpu.region"() ({
      %run_scoped3A = tpu.sem_alloc : memref<!tpu.dma_semaphore, #tpu.memory_space<semaphore_mem>>
      %dma_start3A_89 = tpu.memref_slice %arg3[%add3A_74] : memref<180224xi32, #tpu.memory_space<hbm>> -> memref<512xi32, #tpu.memory_space<hbm>>
      %dma_start3A_90 = tpu.memref_slice %arg3[%add3A_74] : memref<180224xi32, #tpu.memory_space<hbm>> -> memref<512xi32, #tpu.memory_space<hbm>>
      tpu.enqueue_dma source(%dma_start3A_90 : memref<512xi32, #tpu.memory_space<hbm>>) target(%arg5 : memref<512xi32, #tpu.memory_space<vmem>>) target_semaphore(%run_scoped3A : memref<!tpu.dma_semaphore, #tpu.memory_space<semaphore_mem>>)
      %dma_wait3A_91 = tpu.memref_slice %arg3[%add3A_74] : memref<180224xi32, #tpu.memory_space<hbm>> -> memref<512xi32, #tpu.memory_space<hbm>>
      %dma_wait3A_92 = tpu.memref_slice %arg3[%add3A_74] : memref<180224xi32, #tpu.memory_space<hbm>> -> memref<512xi32, #tpu.memory_space<hbm>>
      tpu.wait_dma2 semaphore(%run_scoped3A : memref<!tpu.dma_semaphore, #tpu.memory_space<semaphore_mem>>) src(%dma_wait3A_92 : memref<512xi32, #tpu.memory_space<hbm>>) dst(%arg5 : memref<512xi32, #tpu.memory_space<vmem>>)
      tpu.yield
    }) : () -> ()
    %dma_start3A_75 = arith.constant 0 : i32
    %dma_start3A_76 = arith.constant 0 : i32
    %dma_start3A_77 = tpu.memref_slice %arg2[%dma_start3A_75, %dma_start3A_76] : memref<180000x128xf32, #tpu.memory_space<hbm>> -> memref<180000x128xf32, #tpu.memory_space<hbm>>
    tpu.enqueue_indirect_dma source(%dma_start3A_77 : memref<180000x128xf32, #tpu.memory_space<hbm>>) target(%arg6 : memref<512x128xf32, #tpu.memory_space<vmem>>) offsets(%arg5 : memref<512xi32, #tpu.memory_space<vmem>>) semaphore(%arg7 : memref<!tpu.dma_semaphore, #tpu.memory_space<semaphore_mem>>)
    %dma_wait3A_78 = arith.constant 0 : i32
    %dma_wait3A_79 = arith.constant 0 : i32
    %dma_wait3A_80 = tpu.memref_slice %arg2[%dma_wait3A_78, %dma_wait3A_79] : memref<180000x128xf32, #tpu.memory_space<hbm>> -> memref<180000x128xf32, #tpu.memory_space<hbm>>
    tpu.wait_indirect_dma semaphore(%arg7 : memref<!tpu.dma_semaphore, #tpu.memory_space<semaphore_mem>>) src(%dma_wait3A_80 : memref<180000x128xf32, #tpu.memory_space<hbm>>) dst(%arg6 : memref<512x128xf32, #tpu.memory_space<vmem>>)
    "tpu.region"() ({
      %run_scoped3A = tpu.sem_alloc : memref<!tpu.dma_semaphore, #tpu.memory_space<semaphore_mem>>
      %dma_start3A_89 = arith.constant 0 : i32
      %dma_start3A_90 = tpu.memref_slice %arg4[%add3A_74, %dma_start3A_89] : memref<180224x128xf32, #tpu.memory_space<hbm>> -> memref<512x128xf32, #tpu.memory_space<hbm>>
      %dma_start3A_91 = arith.constant 0 : i32
      %dma_start3A_92 = tpu.memref_slice %arg4[%add3A_74, %dma_start3A_91] : memref<180224x128xf32, #tpu.memory_space<hbm>> -> memref<512x128xf32, #tpu.memory_space<hbm>>
      tpu.enqueue_dma source(%arg6 : memref<512x128xf32, #tpu.memory_space<vmem>>) target(%dma_start3A_92 : memref<512x128xf32, #tpu.memory_space<hbm>>) target_semaphore(%run_scoped3A : memref<!tpu.dma_semaphore, #tpu.memory_space<semaphore_mem>>)
      %dma_wait3A_93 = arith.constant 0 : i32
      %dma_wait3A_94 = tpu.memref_slice %arg4[%add3A_74, %dma_wait3A_93] : memref<180224x128xf32, #tpu.memory_space<hbm>> -> memref<512x128xf32, #tpu.memory_space<hbm>>
      %dma_wait3A_95 = arith.constant 0 : i32
      %dma_wait3A_96 = tpu.memref_slice %arg4[%add3A_74, %dma_wait3A_95] : memref<180224x128xf32, #tpu.memory_space<hbm>> -> memref<512x128xf32, #tpu.memory_space<hbm>>
      tpu.wait_dma2 semaphore(%run_scoped3A : memref<!tpu.dma_semaphore, #tpu.memory_space<semaphore_mem>>) src(%arg6 : memref<512x128xf32, #tpu.memory_space<vmem>>) dst(%dma_wait3A_96 : memref<512x128xf32, #tpu.memory_space<hbm>>)
      tpu.yield
    }) : () -> ()
    %add3A_81 = arith.constant 5120 : i32
    %add3A_82 = arith.addi %mul3A_2, %add3A_81 : i32
    "tpu.region"() ({
      %run_scoped3A = tpu.sem_alloc : memref<!tpu.dma_semaphore, #tpu.memory_space<semaphore_mem>>
      %dma_start3A_89 = tpu.memref_slice %arg3[%add3A_82] : memref<180224xi32, #tpu.memory_space<hbm>> -> memref<512xi32, #tpu.memory_space<hbm>>
      %dma_start3A_90 = tpu.memref_slice %arg3[%add3A_82] : memref<180224xi32, #tpu.memory_space<hbm>> -> memref<512xi32, #tpu.memory_space<hbm>>
      tpu.enqueue_dma source(%dma_start3A_90 : memref<512xi32, #tpu.memory_space<hbm>>) target(%arg5 : memref<512xi32, #tpu.memory_space<vmem>>) target_semaphore(%run_scoped3A : memref<!tpu.dma_semaphore, #tpu.memory_space<semaphore_mem>>)
      %dma_wait3A_91 = tpu.memref_slice %arg3[%add3A_82] : memref<180224xi32, #tpu.memory_space<hbm>> -> memref<512xi32, #tpu.memory_space<hbm>>
      %dma_wait3A_92 = tpu.memref_slice %arg3[%add3A_82] : memref<180224xi32, #tpu.memory_space<hbm>> -> memref<512xi32, #tpu.memory_space<hbm>>
      tpu.wait_dma2 semaphore(%run_scoped3A : memref<!tpu.dma_semaphore, #tpu.memory_space<semaphore_mem>>) src(%dma_wait3A_92 : memref<512xi32, #tpu.memory_space<hbm>>) dst(%arg5 : memref<512xi32, #tpu.memory_space<vmem>>)
      tpu.yield
    }) : () -> ()
    %dma_start3A_83 = arith.constant 0 : i32
    %dma_start3A_84 = arith.constant 0 : i32
    %dma_start3A_85 = tpu.memref_slice %arg2[%dma_start3A_83, %dma_start3A_84] : memref<180000x128xf32, #tpu.memory_space<hbm>> -> memref<180000x128xf32, #tpu.memory_space<hbm>>
    tpu.enqueue_indirect_dma source(%dma_start3A_85 : memref<180000x128xf32, #tpu.memory_space<hbm>>) target(%arg6 : memref<512x128xf32, #tpu.memory_space<vmem>>) offsets(%arg5 : memref<512xi32, #tpu.memory_space<vmem>>) semaphore(%arg7 : memref<!tpu.dma_semaphore, #tpu.memory_space<semaphore_mem>>)
    %dma_wait3A_86 = arith.constant 0 : i32
    %dma_wait3A_87 = arith.constant 0 : i32
    %dma_wait3A_88 = tpu.memref_slice %arg2[%dma_wait3A_86, %dma_wait3A_87] : memref<180000x128xf32, #tpu.memory_space<hbm>> -> memref<180000x128xf32, #tpu.memory_space<hbm>>
    tpu.wait_indirect_dma semaphore(%arg7 : memref<!tpu.dma_semaphore, #tpu.memory_space<semaphore_mem>>) src(%dma_wait3A_88 : memref<180000x128xf32, #tpu.memory_space<hbm>>) dst(%arg6 : memref<512x128xf32, #tpu.memory_space<vmem>>)
    "tpu.region"() ({
      %run_scoped3A = tpu.sem_alloc : memref<!tpu.dma_semaphore, #tpu.memory_space<semaphore_mem>>
      %dma_start3A_89 = arith.constant 0 : i32
      %dma_start3A_90 = tpu.memref_slice %arg4[%add3A_82, %dma_start3A_89] : memref<180224x128xf32, #tpu.memory_space<hbm>> -> memref<512x128xf32, #tpu.memory_space<hbm>>
      %dma_start3A_91 = arith.constant 0 : i32
      %dma_start3A_92 = tpu.memref_slice %arg4[%add3A_82, %dma_start3A_91] : memref<180224x128xf32, #tpu.memory_space<hbm>> -> memref<512x128xf32, #tpu.memory_space<hbm>>
      tpu.enqueue_dma source(%arg6 : memref<512x128xf32, #tpu.memory_space<vmem>>) target(%dma_start3A_92 : memref<512x128xf32, #tpu.memory_space<hbm>>) target_semaphore(%run_scoped3A : memref<!tpu.dma_semaphore, #tpu.memory_space<semaphore_mem>>)
      %dma_wait3A_93 = arith.constant 0 : i32
      %dma_wait3A_94 = tpu.memref_slice %arg4[%add3A_82, %dma_wait3A_93] : memref<180224x128xf32, #tpu.memory_space<hbm>> -> memref<512x128xf32, #tpu.memory_space<hbm>>
      %dma_wait3A_95 = arith.constant 0 : i32
      %dma_wait3A_96 = tpu.memref_slice %arg4[%add3A_82, %dma_wait3A_95] : memref<180224x128xf32, #tpu.memory_space<hbm>> -> memref<512x128xf32, #tpu.memory_space<hbm>>
      tpu.wait_dma2 semaphore(%run_scoped3A : memref<!tpu.dma_semaphore, #tpu.memory_space<semaphore_mem>>) src(%arg6 : memref<512x128xf32, #tpu.memory_space<vmem>>) dst(%dma_wait3A_96 : memref<512x128xf32, #tpu.memory_space<hbm>>)
      tpu.yield
    }) : () -> ()
    return
  }
}

#map = affine_map<(d0, d1) -> (0, 0)>
#map1 = affine_map<(d0, d1) -> (0)>
module attributes {stable_mosaic.version = 14 : i64} {
  func.func @sc_scatter(%arg0: i32, %arg1: i32, %arg2: memref<180224x128xf32, #tpu.memory_space<hbm>>, %arg3: memref<180224xi32, #tpu.memory_space<hbm>>, %arg4: memref<180224x128xf32, #tpu.memory_space<hbm>>, %arg5: memref<512xi32, #tpu.memory_space<vmem>>, %arg6: memref<512x128xf32, #tpu.memory_space<vmem>>, %arg7: memref<!tpu.dma_semaphore, #tpu.memory_space<semaphore_mem>>) attributes {dimension_semantics = [#tpu.dimension_semantics<core_parallel>, #tpu.dimension_semantics<subcore_parallel>], iteration_bounds = array<i64: 2, 16>, scalar_prefetch = 0 : i64, scratch_operands = 3 : i64, tpu.core_type = #tpu.core_type<sc_vector_subcore>, window_params = [{transform_indices = #map}, {transform_indices = #map1}, {transform_indices = #map}]} {
    %mul3A = arith.constant 2 : i32
    %mul3A_0 = arith.muli %arg1, %mul3A : i32
    %add3A = arith.addi %mul3A_0, %arg0 : i32
    %mul3A_1 = arith.constant 5632 : i32
    %mul3A_2 = arith.muli %add3A, %mul3A_1 : i32
    %add3A_3 = arith.constant 0 : i32
    %add3A_4 = arith.addi %mul3A_2, %add3A_3 : i32
    "tpu.region"() ({
      %run_scoped3A = tpu.sem_alloc : memref<!tpu.dma_semaphore, #tpu.memory_space<semaphore_mem>>
      %dma_start3A_89 = tpu.memref_slice %arg3[%add3A_4] : memref<180224xi32, #tpu.memory_space<hbm>> -> memref<512xi32, #tpu.memory_space<hbm>>
      %dma_start3A_90 = tpu.memref_slice %arg3[%add3A_4] : memref<180224xi32, #tpu.memory_space<hbm>> -> memref<512xi32, #tpu.memory_space<hbm>>
      tpu.enqueue_dma source(%dma_start3A_90 : memref<512xi32, #tpu.memory_space<hbm>>) target(%arg5 : memref<512xi32, #tpu.memory_space<vmem>>) target_semaphore(%run_scoped3A : memref<!tpu.dma_semaphore, #tpu.memory_space<semaphore_mem>>)
      %dma_wait3A_91 = tpu.memref_slice %arg3[%add3A_4] : memref<180224xi32, #tpu.memory_space<hbm>> -> memref<512xi32, #tpu.memory_space<hbm>>
      %dma_wait3A_92 = tpu.memref_slice %arg3[%add3A_4] : memref<180224xi32, #tpu.memory_space<hbm>> -> memref<512xi32, #tpu.memory_space<hbm>>
      tpu.wait_dma2 semaphore(%run_scoped3A : memref<!tpu.dma_semaphore, #tpu.memory_space<semaphore_mem>>) src(%dma_wait3A_92 : memref<512xi32, #tpu.memory_space<hbm>>) dst(%arg5 : memref<512xi32, #tpu.memory_space<vmem>>)
      tpu.yield
    }) : () -> ()
    "tpu.region"() ({
      %run_scoped3A = tpu.sem_alloc : memref<!tpu.dma_semaphore, #tpu.memory_space<semaphore_mem>>
      %dma_start3A_89 = arith.constant 0 : i32
      %dma_start3A_90 = tpu.memref_slice %arg2[%add3A_4, %dma_start3A_89] : memref<180224x128xf32, #tpu.memory_space<hbm>> -> memref<512x128xf32, #tpu.memory_space<hbm>>
      %dma_start3A_91 = arith.constant 0 : i32
      %dma_start3A_92 = tpu.memref_slice %arg2[%add3A_4, %dma_start3A_91] : memref<180224x128xf32, #tpu.memory_space<hbm>> -> memref<512x128xf32, #tpu.memory_space<hbm>>
      tpu.enqueue_dma source(%dma_start3A_92 : memref<512x128xf32, #tpu.memory_space<hbm>>) target(%arg6 : memref<512x128xf32, #tpu.memory_space<vmem>>) target_semaphore(%run_scoped3A : memref<!tpu.dma_semaphore, #tpu.memory_space<semaphore_mem>>)
      %dma_wait3A_93 = arith.constant 0 : i32
      %dma_wait3A_94 = tpu.memref_slice %arg2[%add3A_4, %dma_wait3A_93] : memref<180224x128xf32, #tpu.memory_space<hbm>> -> memref<512x128xf32, #tpu.memory_space<hbm>>
      %dma_wait3A_95 = arith.constant 0 : i32
      %dma_wait3A_96 = tpu.memref_slice %arg2[%add3A_4, %dma_wait3A_95] : memref<180224x128xf32, #tpu.memory_space<hbm>> -> memref<512x128xf32, #tpu.memory_space<hbm>>
      tpu.wait_dma2 semaphore(%run_scoped3A : memref<!tpu.dma_semaphore, #tpu.memory_space<semaphore_mem>>) src(%dma_wait3A_96 : memref<512x128xf32, #tpu.memory_space<hbm>>) dst(%arg6 : memref<512x128xf32, #tpu.memory_space<vmem>>)
      tpu.yield
    }) : () -> ()
    %dma_start3A = arith.constant 0 : i32
    %dma_start3A_5 = arith.constant 0 : i32
    %dma_start3A_6 = tpu.memref_slice %arg4[%dma_start3A, %dma_start3A_5] : memref<180224x128xf32, #tpu.memory_space<hbm>> -> memref<180224x128xf32, #tpu.memory_space<hbm>>
    tpu.enqueue_indirect_dma source(%arg6 : memref<512x128xf32, #tpu.memory_space<vmem>>) target(%dma_start3A_6 : memref<180224x128xf32, #tpu.memory_space<hbm>>) offsets(%arg5 : memref<512xi32, #tpu.memory_space<vmem>>) semaphore(%arg7 : memref<!tpu.dma_semaphore, #tpu.memory_space<semaphore_mem>>)
    %dma_wait3A = arith.constant 0 : i32
    %dma_wait3A_7 = arith.constant 0 : i32
    %dma_wait3A_8 = tpu.memref_slice %arg4[%dma_wait3A, %dma_wait3A_7] : memref<180224x128xf32, #tpu.memory_space<hbm>> -> memref<180224x128xf32, #tpu.memory_space<hbm>>
    tpu.wait_indirect_dma semaphore(%arg7 : memref<!tpu.dma_semaphore, #tpu.memory_space<semaphore_mem>>) src(%arg6 : memref<512x128xf32, #tpu.memory_space<vmem>>) dst(%dma_wait3A_8 : memref<180224x128xf32, #tpu.memory_space<hbm>>)
    %add3A_9 = arith.constant 512 : i32
    %add3A_10 = arith.addi %mul3A_2, %add3A_9 : i32
    "tpu.region"() ({
      %run_scoped3A = tpu.sem_alloc : memref<!tpu.dma_semaphore, #tpu.memory_space<semaphore_mem>>
      %dma_start3A_89 = tpu.memref_slice %arg3[%add3A_10] : memref<180224xi32, #tpu.memory_space<hbm>> -> memref<512xi32, #tpu.memory_space<hbm>>
      %dma_start3A_90 = tpu.memref_slice %arg3[%add3A_10] : memref<180224xi32, #tpu.memory_space<hbm>> -> memref<512xi32, #tpu.memory_space<hbm>>
      tpu.enqueue_dma source(%dma_start3A_90 : memref<512xi32, #tpu.memory_space<hbm>>) target(%arg5 : memref<512xi32, #tpu.memory_space<vmem>>) target_semaphore(%run_scoped3A : memref<!tpu.dma_semaphore, #tpu.memory_space<semaphore_mem>>)
      %dma_wait3A_91 = tpu.memref_slice %arg3[%add3A_10] : memref<180224xi32, #tpu.memory_space<hbm>> -> memref<512xi32, #tpu.memory_space<hbm>>
      %dma_wait3A_92 = tpu.memref_slice %arg3[%add3A_10] : memref<180224xi32, #tpu.memory_space<hbm>> -> memref<512xi32, #tpu.memory_space<hbm>>
      tpu.wait_dma2 semaphore(%run_scoped3A : memref<!tpu.dma_semaphore, #tpu.memory_space<semaphore_mem>>) src(%dma_wait3A_92 : memref<512xi32, #tpu.memory_space<hbm>>) dst(%arg5 : memref<512xi32, #tpu.memory_space<vmem>>)
      tpu.yield
    }) : () -> ()
    "tpu.region"() ({
      %run_scoped3A = tpu.sem_alloc : memref<!tpu.dma_semaphore, #tpu.memory_space<semaphore_mem>>
      %dma_start3A_89 = arith.constant 0 : i32
      %dma_start3A_90 = tpu.memref_slice %arg2[%add3A_10, %dma_start3A_89] : memref<180224x128xf32, #tpu.memory_space<hbm>> -> memref<512x128xf32, #tpu.memory_space<hbm>>
      %dma_start3A_91 = arith.constant 0 : i32
      %dma_start3A_92 = tpu.memref_slice %arg2[%add3A_10, %dma_start3A_91] : memref<180224x128xf32, #tpu.memory_space<hbm>> -> memref<512x128xf32, #tpu.memory_space<hbm>>
      tpu.enqueue_dma source(%dma_start3A_92 : memref<512x128xf32, #tpu.memory_space<hbm>>) target(%arg6 : memref<512x128xf32, #tpu.memory_space<vmem>>) target_semaphore(%run_scoped3A : memref<!tpu.dma_semaphore, #tpu.memory_space<semaphore_mem>>)
      %dma_wait3A_93 = arith.constant 0 : i32
      %dma_wait3A_94 = tpu.memref_slice %arg2[%add3A_10, %dma_wait3A_93] : memref<180224x128xf32, #tpu.memory_space<hbm>> -> memref<512x128xf32, #tpu.memory_space<hbm>>
      %dma_wait3A_95 = arith.constant 0 : i32
      %dma_wait3A_96 = tpu.memref_slice %arg2[%add3A_10, %dma_wait3A_95] : memref<180224x128xf32, #tpu.memory_space<hbm>> -> memref<512x128xf32, #tpu.memory_space<hbm>>
      tpu.wait_dma2 semaphore(%run_scoped3A : memref<!tpu.dma_semaphore, #tpu.memory_space<semaphore_mem>>) src(%dma_wait3A_96 : memref<512x128xf32, #tpu.memory_space<hbm>>) dst(%arg6 : memref<512x128xf32, #tpu.memory_space<vmem>>)
      tpu.yield
    }) : () -> ()
    %dma_start3A_11 = arith.constant 0 : i32
    %dma_start3A_12 = arith.constant 0 : i32
    %dma_start3A_13 = tpu.memref_slice %arg4[%dma_start3A_11, %dma_start3A_12] : memref<180224x128xf32, #tpu.memory_space<hbm>> -> memref<180224x128xf32, #tpu.memory_space<hbm>>
    tpu.enqueue_indirect_dma source(%arg6 : memref<512x128xf32, #tpu.memory_space<vmem>>) target(%dma_start3A_13 : memref<180224x128xf32, #tpu.memory_space<hbm>>) offsets(%arg5 : memref<512xi32, #tpu.memory_space<vmem>>) semaphore(%arg7 : memref<!tpu.dma_semaphore, #tpu.memory_space<semaphore_mem>>)
    %dma_wait3A_14 = arith.constant 0 : i32
    %dma_wait3A_15 = arith.constant 0 : i32
    %dma_wait3A_16 = tpu.memref_slice %arg4[%dma_wait3A_14, %dma_wait3A_15] : memref<180224x128xf32, #tpu.memory_space<hbm>> -> memref<180224x128xf32, #tpu.memory_space<hbm>>
    tpu.wait_indirect_dma semaphore(%arg7 : memref<!tpu.dma_semaphore, #tpu.memory_space<semaphore_mem>>) src(%arg6 : memref<512x128xf32, #tpu.memory_space<vmem>>) dst(%dma_wait3A_16 : memref<180224x128xf32, #tpu.memory_space<hbm>>)
    %add3A_17 = arith.constant 1024 : i32
    %add3A_18 = arith.addi %mul3A_2, %add3A_17 : i32
    "tpu.region"() ({
      %run_scoped3A = tpu.sem_alloc : memref<!tpu.dma_semaphore, #tpu.memory_space<semaphore_mem>>
      %dma_start3A_89 = tpu.memref_slice %arg3[%add3A_18] : memref<180224xi32, #tpu.memory_space<hbm>> -> memref<512xi32, #tpu.memory_space<hbm>>
      %dma_start3A_90 = tpu.memref_slice %arg3[%add3A_18] : memref<180224xi32, #tpu.memory_space<hbm>> -> memref<512xi32, #tpu.memory_space<hbm>>
      tpu.enqueue_dma source(%dma_start3A_90 : memref<512xi32, #tpu.memory_space<hbm>>) target(%arg5 : memref<512xi32, #tpu.memory_space<vmem>>) target_semaphore(%run_scoped3A : memref<!tpu.dma_semaphore, #tpu.memory_space<semaphore_mem>>)
      %dma_wait3A_91 = tpu.memref_slice %arg3[%add3A_18] : memref<180224xi32, #tpu.memory_space<hbm>> -> memref<512xi32, #tpu.memory_space<hbm>>
      %dma_wait3A_92 = tpu.memref_slice %arg3[%add3A_18] : memref<180224xi32, #tpu.memory_space<hbm>> -> memref<512xi32, #tpu.memory_space<hbm>>
      tpu.wait_dma2 semaphore(%run_scoped3A : memref<!tpu.dma_semaphore, #tpu.memory_space<semaphore_mem>>) src(%dma_wait3A_92 : memref<512xi32, #tpu.memory_space<hbm>>) dst(%arg5 : memref<512xi32, #tpu.memory_space<vmem>>)
      tpu.yield
    }) : () -> ()
    "tpu.region"() ({
      %run_scoped3A = tpu.sem_alloc : memref<!tpu.dma_semaphore, #tpu.memory_space<semaphore_mem>>
      %dma_start3A_89 = arith.constant 0 : i32
      %dma_start3A_90 = tpu.memref_slice %arg2[%add3A_18, %dma_start3A_89] : memref<180224x128xf32, #tpu.memory_space<hbm>> -> memref<512x128xf32, #tpu.memory_space<hbm>>
      %dma_start3A_91 = arith.constant 0 : i32
      %dma_start3A_92 = tpu.memref_slice %arg2[%add3A_18, %dma_start3A_91] : memref<180224x128xf32, #tpu.memory_space<hbm>> -> memref<512x128xf32, #tpu.memory_space<hbm>>
      tpu.enqueue_dma source(%dma_start3A_92 : memref<512x128xf32, #tpu.memory_space<hbm>>) target(%arg6 : memref<512x128xf32, #tpu.memory_space<vmem>>) target_semaphore(%run_scoped3A : memref<!tpu.dma_semaphore, #tpu.memory_space<semaphore_mem>>)
      %dma_wait3A_93 = arith.constant 0 : i32
      %dma_wait3A_94 = tpu.memref_slice %arg2[%add3A_18, %dma_wait3A_93] : memref<180224x128xf32, #tpu.memory_space<hbm>> -> memref<512x128xf32, #tpu.memory_space<hbm>>
      %dma_wait3A_95 = arith.constant 0 : i32
      %dma_wait3A_96 = tpu.memref_slice %arg2[%add3A_18, %dma_wait3A_95] : memref<180224x128xf32, #tpu.memory_space<hbm>> -> memref<512x128xf32, #tpu.memory_space<hbm>>
      tpu.wait_dma2 semaphore(%run_scoped3A : memref<!tpu.dma_semaphore, #tpu.memory_space<semaphore_mem>>) src(%dma_wait3A_96 : memref<512x128xf32, #tpu.memory_space<hbm>>) dst(%arg6 : memref<512x128xf32, #tpu.memory_space<vmem>>)
      tpu.yield
    }) : () -> ()
    %dma_start3A_19 = arith.constant 0 : i32
    %dma_start3A_20 = arith.constant 0 : i32
    %dma_start3A_21 = tpu.memref_slice %arg4[%dma_start3A_19, %dma_start3A_20] : memref<180224x128xf32, #tpu.memory_space<hbm>> -> memref<180224x128xf32, #tpu.memory_space<hbm>>
    tpu.enqueue_indirect_dma source(%arg6 : memref<512x128xf32, #tpu.memory_space<vmem>>) target(%dma_start3A_21 : memref<180224x128xf32, #tpu.memory_space<hbm>>) offsets(%arg5 : memref<512xi32, #tpu.memory_space<vmem>>) semaphore(%arg7 : memref<!tpu.dma_semaphore, #tpu.memory_space<semaphore_mem>>)
    %dma_wait3A_22 = arith.constant 0 : i32
    %dma_wait3A_23 = arith.constant 0 : i32
    %dma_wait3A_24 = tpu.memref_slice %arg4[%dma_wait3A_22, %dma_wait3A_23] : memref<180224x128xf32, #tpu.memory_space<hbm>> -> memref<180224x128xf32, #tpu.memory_space<hbm>>
    tpu.wait_indirect_dma semaphore(%arg7 : memref<!tpu.dma_semaphore, #tpu.memory_space<semaphore_mem>>) src(%arg6 : memref<512x128xf32, #tpu.memory_space<vmem>>) dst(%dma_wait3A_24 : memref<180224x128xf32, #tpu.memory_space<hbm>>)
    %add3A_25 = arith.constant 1536 : i32
    %add3A_26 = arith.addi %mul3A_2, %add3A_25 : i32
    "tpu.region"() ({
      %run_scoped3A = tpu.sem_alloc : memref<!tpu.dma_semaphore, #tpu.memory_space<semaphore_mem>>
      %dma_start3A_89 = tpu.memref_slice %arg3[%add3A_26] : memref<180224xi32, #tpu.memory_space<hbm>> -> memref<512xi32, #tpu.memory_space<hbm>>
      %dma_start3A_90 = tpu.memref_slice %arg3[%add3A_26] : memref<180224xi32, #tpu.memory_space<hbm>> -> memref<512xi32, #tpu.memory_space<hbm>>
      tpu.enqueue_dma source(%dma_start3A_90 : memref<512xi32, #tpu.memory_space<hbm>>) target(%arg5 : memref<512xi32, #tpu.memory_space<vmem>>) target_semaphore(%run_scoped3A : memref<!tpu.dma_semaphore, #tpu.memory_space<semaphore_mem>>)
      %dma_wait3A_91 = tpu.memref_slice %arg3[%add3A_26] : memref<180224xi32, #tpu.memory_space<hbm>> -> memref<512xi32, #tpu.memory_space<hbm>>
      %dma_wait3A_92 = tpu.memref_slice %arg3[%add3A_26] : memref<180224xi32, #tpu.memory_space<hbm>> -> memref<512xi32, #tpu.memory_space<hbm>>
      tpu.wait_dma2 semaphore(%run_scoped3A : memref<!tpu.dma_semaphore, #tpu.memory_space<semaphore_mem>>) src(%dma_wait3A_92 : memref<512xi32, #tpu.memory_space<hbm>>) dst(%arg5 : memref<512xi32, #tpu.memory_space<vmem>>)
      tpu.yield
    }) : () -> ()
    "tpu.region"() ({
      %run_scoped3A = tpu.sem_alloc : memref<!tpu.dma_semaphore, #tpu.memory_space<semaphore_mem>>
      %dma_start3A_89 = arith.constant 0 : i32
      %dma_start3A_90 = tpu.memref_slice %arg2[%add3A_26, %dma_start3A_89] : memref<180224x128xf32, #tpu.memory_space<hbm>> -> memref<512x128xf32, #tpu.memory_space<hbm>>
      %dma_start3A_91 = arith.constant 0 : i32
      %dma_start3A_92 = tpu.memref_slice %arg2[%add3A_26, %dma_start3A_91] : memref<180224x128xf32, #tpu.memory_space<hbm>> -> memref<512x128xf32, #tpu.memory_space<hbm>>
      tpu.enqueue_dma source(%dma_start3A_92 : memref<512x128xf32, #tpu.memory_space<hbm>>) target(%arg6 : memref<512x128xf32, #tpu.memory_space<vmem>>) target_semaphore(%run_scoped3A : memref<!tpu.dma_semaphore, #tpu.memory_space<semaphore_mem>>)
      %dma_wait3A_93 = arith.constant 0 : i32
      %dma_wait3A_94 = tpu.memref_slice %arg2[%add3A_26, %dma_wait3A_93] : memref<180224x128xf32, #tpu.memory_space<hbm>> -> memref<512x128xf32, #tpu.memory_space<hbm>>
      %dma_wait3A_95 = arith.constant 0 : i32
      %dma_wait3A_96 = tpu.memref_slice %arg2[%add3A_26, %dma_wait3A_95] : memref<180224x128xf32, #tpu.memory_space<hbm>> -> memref<512x128xf32, #tpu.memory_space<hbm>>
      tpu.wait_dma2 semaphore(%run_scoped3A : memref<!tpu.dma_semaphore, #tpu.memory_space<semaphore_mem>>) src(%dma_wait3A_96 : memref<512x128xf32, #tpu.memory_space<hbm>>) dst(%arg6 : memref<512x128xf32, #tpu.memory_space<vmem>>)
      tpu.yield
    }) : () -> ()
    %dma_start3A_27 = arith.constant 0 : i32
    %dma_start3A_28 = arith.constant 0 : i32
    %dma_start3A_29 = tpu.memref_slice %arg4[%dma_start3A_27, %dma_start3A_28] : memref<180224x128xf32, #tpu.memory_space<hbm>> -> memref<180224x128xf32, #tpu.memory_space<hbm>>
    tpu.enqueue_indirect_dma source(%arg6 : memref<512x128xf32, #tpu.memory_space<vmem>>) target(%dma_start3A_29 : memref<180224x128xf32, #tpu.memory_space<hbm>>) offsets(%arg5 : memref<512xi32, #tpu.memory_space<vmem>>) semaphore(%arg7 : memref<!tpu.dma_semaphore, #tpu.memory_space<semaphore_mem>>)
    %dma_wait3A_30 = arith.constant 0 : i32
    %dma_wait3A_31 = arith.constant 0 : i32
    %dma_wait3A_32 = tpu.memref_slice %arg4[%dma_wait3A_30, %dma_wait3A_31] : memref<180224x128xf32, #tpu.memory_space<hbm>> -> memref<180224x128xf32, #tpu.memory_space<hbm>>
    tpu.wait_indirect_dma semaphore(%arg7 : memref<!tpu.dma_semaphore, #tpu.memory_space<semaphore_mem>>) src(%arg6 : memref<512x128xf32, #tpu.memory_space<vmem>>) dst(%dma_wait3A_32 : memref<180224x128xf32, #tpu.memory_space<hbm>>)
    %add3A_33 = arith.constant 2048 : i32
    %add3A_34 = arith.addi %mul3A_2, %add3A_33 : i32
    "tpu.region"() ({
      %run_scoped3A = tpu.sem_alloc : memref<!tpu.dma_semaphore, #tpu.memory_space<semaphore_mem>>
      %dma_start3A_89 = tpu.memref_slice %arg3[%add3A_34] : memref<180224xi32, #tpu.memory_space<hbm>> -> memref<512xi32, #tpu.memory_space<hbm>>
      %dma_start3A_90 = tpu.memref_slice %arg3[%add3A_34] : memref<180224xi32, #tpu.memory_space<hbm>> -> memref<512xi32, #tpu.memory_space<hbm>>
      tpu.enqueue_dma source(%dma_start3A_90 : memref<512xi32, #tpu.memory_space<hbm>>) target(%arg5 : memref<512xi32, #tpu.memory_space<vmem>>) target_semaphore(%run_scoped3A : memref<!tpu.dma_semaphore, #tpu.memory_space<semaphore_mem>>)
      %dma_wait3A_91 = tpu.memref_slice %arg3[%add3A_34] : memref<180224xi32, #tpu.memory_space<hbm>> -> memref<512xi32, #tpu.memory_space<hbm>>
      %dma_wait3A_92 = tpu.memref_slice %arg3[%add3A_34] : memref<180224xi32, #tpu.memory_space<hbm>> -> memref<512xi32, #tpu.memory_space<hbm>>
      tpu.wait_dma2 semaphore(%run_scoped3A : memref<!tpu.dma_semaphore, #tpu.memory_space<semaphore_mem>>) src(%dma_wait3A_92 : memref<512xi32, #tpu.memory_space<hbm>>) dst(%arg5 : memref<512xi32, #tpu.memory_space<vmem>>)
      tpu.yield
    }) : () -> ()
    "tpu.region"() ({
      %run_scoped3A = tpu.sem_alloc : memref<!tpu.dma_semaphore, #tpu.memory_space<semaphore_mem>>
      %dma_start3A_89 = arith.constant 0 : i32
      %dma_start3A_90 = tpu.memref_slice %arg2[%add3A_34, %dma_start3A_89] : memref<180224x128xf32, #tpu.memory_space<hbm>> -> memref<512x128xf32, #tpu.memory_space<hbm>>
      %dma_start3A_91 = arith.constant 0 : i32
      %dma_start3A_92 = tpu.memref_slice %arg2[%add3A_34, %dma_start3A_91] : memref<180224x128xf32, #tpu.memory_space<hbm>> -> memref<512x128xf32, #tpu.memory_space<hbm>>
      tpu.enqueue_dma source(%dma_start3A_92 : memref<512x128xf32, #tpu.memory_space<hbm>>) target(%arg6 : memref<512x128xf32, #tpu.memory_space<vmem>>) target_semaphore(%run_scoped3A : memref<!tpu.dma_semaphore, #tpu.memory_space<semaphore_mem>>)
      %dma_wait3A_93 = arith.constant 0 : i32
      %dma_wait3A_94 = tpu.memref_slice %arg2[%add3A_34, %dma_wait3A_93] : memref<180224x128xf32, #tpu.memory_space<hbm>> -> memref<512x128xf32, #tpu.memory_space<hbm>>
      %dma_wait3A_95 = arith.constant 0 : i32
      %dma_wait3A_96 = tpu.memref_slice %arg2[%add3A_34, %dma_wait3A_95] : memref<180224x128xf32, #tpu.memory_space<hbm>> -> memref<512x128xf32, #tpu.memory_space<hbm>>
      tpu.wait_dma2 semaphore(%run_scoped3A : memref<!tpu.dma_semaphore, #tpu.memory_space<semaphore_mem>>) src(%dma_wait3A_96 : memref<512x128xf32, #tpu.memory_space<hbm>>) dst(%arg6 : memref<512x128xf32, #tpu.memory_space<vmem>>)
      tpu.yield
    }) : () -> ()
    %dma_start3A_35 = arith.constant 0 : i32
    %dma_start3A_36 = arith.constant 0 : i32
    %dma_start3A_37 = tpu.memref_slice %arg4[%dma_start3A_35, %dma_start3A_36] : memref<180224x128xf32, #tpu.memory_space<hbm>> -> memref<180224x128xf32, #tpu.memory_space<hbm>>
    tpu.enqueue_indirect_dma source(%arg6 : memref<512x128xf32, #tpu.memory_space<vmem>>) target(%dma_start3A_37 : memref<180224x128xf32, #tpu.memory_space<hbm>>) offsets(%arg5 : memref<512xi32, #tpu.memory_space<vmem>>) semaphore(%arg7 : memref<!tpu.dma_semaphore, #tpu.memory_space<semaphore_mem>>)
    %dma_wait3A_38 = arith.constant 0 : i32
    %dma_wait3A_39 = arith.constant 0 : i32
    %dma_wait3A_40 = tpu.memref_slice %arg4[%dma_wait3A_38, %dma_wait3A_39] : memref<180224x128xf32, #tpu.memory_space<hbm>> -> memref<180224x128xf32, #tpu.memory_space<hbm>>
    tpu.wait_indirect_dma semaphore(%arg7 : memref<!tpu.dma_semaphore, #tpu.memory_space<semaphore_mem>>) src(%arg6 : memref<512x128xf32, #tpu.memory_space<vmem>>) dst(%dma_wait3A_40 : memref<180224x128xf32, #tpu.memory_space<hbm>>)
    %add3A_41 = arith.constant 2560 : i32
    %add3A_42 = arith.addi %mul3A_2, %add3A_41 : i32
    "tpu.region"() ({
      %run_scoped3A = tpu.sem_alloc : memref<!tpu.dma_semaphore, #tpu.memory_space<semaphore_mem>>
      %dma_start3A_89 = tpu.memref_slice %arg3[%add3A_42] : memref<180224xi32, #tpu.memory_space<hbm>> -> memref<512xi32, #tpu.memory_space<hbm>>
      %dma_start3A_90 = tpu.memref_slice %arg3[%add3A_42] : memref<180224xi32, #tpu.memory_space<hbm>> -> memref<512xi32, #tpu.memory_space<hbm>>
      tpu.enqueue_dma source(%dma_start3A_90 : memref<512xi32, #tpu.memory_space<hbm>>) target(%arg5 : memref<512xi32, #tpu.memory_space<vmem>>) target_semaphore(%run_scoped3A : memref<!tpu.dma_semaphore, #tpu.memory_space<semaphore_mem>>)
      %dma_wait3A_91 = tpu.memref_slice %arg3[%add3A_42] : memref<180224xi32, #tpu.memory_space<hbm>> -> memref<512xi32, #tpu.memory_space<hbm>>
      %dma_wait3A_92 = tpu.memref_slice %arg3[%add3A_42] : memref<180224xi32, #tpu.memory_space<hbm>> -> memref<512xi32, #tpu.memory_space<hbm>>
      tpu.wait_dma2 semaphore(%run_scoped3A : memref<!tpu.dma_semaphore, #tpu.memory_space<semaphore_mem>>) src(%dma_wait3A_92 : memref<512xi32, #tpu.memory_space<hbm>>) dst(%arg5 : memref<512xi32, #tpu.memory_space<vmem>>)
      tpu.yield
    }) : () -> ()
    "tpu.region"() ({
      %run_scoped3A = tpu.sem_alloc : memref<!tpu.dma_semaphore, #tpu.memory_space<semaphore_mem>>
      %dma_start3A_89 = arith.constant 0 : i32
      %dma_start3A_90 = tpu.memref_slice %arg2[%add3A_42, %dma_start3A_89] : memref<180224x128xf32, #tpu.memory_space<hbm>> -> memref<512x128xf32, #tpu.memory_space<hbm>>
      %dma_start3A_91 = arith.constant 0 : i32
      %dma_start3A_92 = tpu.memref_slice %arg2[%add3A_42, %dma_start3A_91] : memref<180224x128xf32, #tpu.memory_space<hbm>> -> memref<512x128xf32, #tpu.memory_space<hbm>>
      tpu.enqueue_dma source(%dma_start3A_92 : memref<512x128xf32, #tpu.memory_space<hbm>>) target(%arg6 : memref<512x128xf32, #tpu.memory_space<vmem>>) target_semaphore(%run_scoped3A : memref<!tpu.dma_semaphore, #tpu.memory_space<semaphore_mem>>)
      %dma_wait3A_93 = arith.constant 0 : i32
      %dma_wait3A_94 = tpu.memref_slice %arg2[%add3A_42, %dma_wait3A_93] : memref<180224x128xf32, #tpu.memory_space<hbm>> -> memref<512x128xf32, #tpu.memory_space<hbm>>
      %dma_wait3A_95 = arith.constant 0 : i32
      %dma_wait3A_96 = tpu.memref_slice %arg2[%add3A_42, %dma_wait3A_95] : memref<180224x128xf32, #tpu.memory_space<hbm>> -> memref<512x128xf32, #tpu.memory_space<hbm>>
      tpu.wait_dma2 semaphore(%run_scoped3A : memref<!tpu.dma_semaphore, #tpu.memory_space<semaphore_mem>>) src(%dma_wait3A_96 : memref<512x128xf32, #tpu.memory_space<hbm>>) dst(%arg6 : memref<512x128xf32, #tpu.memory_space<vmem>>)
      tpu.yield
    }) : () -> ()
    %dma_start3A_43 = arith.constant 0 : i32
    %dma_start3A_44 = arith.constant 0 : i32
    %dma_start3A_45 = tpu.memref_slice %arg4[%dma_start3A_43, %dma_start3A_44] : memref<180224x128xf32, #tpu.memory_space<hbm>> -> memref<180224x128xf32, #tpu.memory_space<hbm>>
    tpu.enqueue_indirect_dma source(%arg6 : memref<512x128xf32, #tpu.memory_space<vmem>>) target(%dma_start3A_45 : memref<180224x128xf32, #tpu.memory_space<hbm>>) offsets(%arg5 : memref<512xi32, #tpu.memory_space<vmem>>) semaphore(%arg7 : memref<!tpu.dma_semaphore, #tpu.memory_space<semaphore_mem>>)
    %dma_wait3A_46 = arith.constant 0 : i32
    %dma_wait3A_47 = arith.constant 0 : i32
    %dma_wait3A_48 = tpu.memref_slice %arg4[%dma_wait3A_46, %dma_wait3A_47] : memref<180224x128xf32, #tpu.memory_space<hbm>> -> memref<180224x128xf32, #tpu.memory_space<hbm>>
    tpu.wait_indirect_dma semaphore(%arg7 : memref<!tpu.dma_semaphore, #tpu.memory_space<semaphore_mem>>) src(%arg6 : memref<512x128xf32, #tpu.memory_space<vmem>>) dst(%dma_wait3A_48 : memref<180224x128xf32, #tpu.memory_space<hbm>>)
    %add3A_49 = arith.constant 3072 : i32
    %add3A_50 = arith.addi %mul3A_2, %add3A_49 : i32
    "tpu.region"() ({
      %run_scoped3A = tpu.sem_alloc : memref<!tpu.dma_semaphore, #tpu.memory_space<semaphore_mem>>
      %dma_start3A_89 = tpu.memref_slice %arg3[%add3A_50] : memref<180224xi32, #tpu.memory_space<hbm>> -> memref<512xi32, #tpu.memory_space<hbm>>
      %dma_start3A_90 = tpu.memref_slice %arg3[%add3A_50] : memref<180224xi32, #tpu.memory_space<hbm>> -> memref<512xi32, #tpu.memory_space<hbm>>
      tpu.enqueue_dma source(%dma_start3A_90 : memref<512xi32, #tpu.memory_space<hbm>>) target(%arg5 : memref<512xi32, #tpu.memory_space<vmem>>) target_semaphore(%run_scoped3A : memref<!tpu.dma_semaphore, #tpu.memory_space<semaphore_mem>>)
      %dma_wait3A_91 = tpu.memref_slice %arg3[%add3A_50] : memref<180224xi32, #tpu.memory_space<hbm>> -> memref<512xi32, #tpu.memory_space<hbm>>
      %dma_wait3A_92 = tpu.memref_slice %arg3[%add3A_50] : memref<180224xi32, #tpu.memory_space<hbm>> -> memref<512xi32, #tpu.memory_space<hbm>>
      tpu.wait_dma2 semaphore(%run_scoped3A : memref<!tpu.dma_semaphore, #tpu.memory_space<semaphore_mem>>) src(%dma_wait3A_92 : memref<512xi32, #tpu.memory_space<hbm>>) dst(%arg5 : memref<512xi32, #tpu.memory_space<vmem>>)
      tpu.yield
    }) : () -> ()
    "tpu.region"() ({
      %run_scoped3A = tpu.sem_alloc : memref<!tpu.dma_semaphore, #tpu.memory_space<semaphore_mem>>
      %dma_start3A_89 = arith.constant 0 : i32
      %dma_start3A_90 = tpu.memref_slice %arg2[%add3A_50, %dma_start3A_89] : memref<180224x128xf32, #tpu.memory_space<hbm>> -> memref<512x128xf32, #tpu.memory_space<hbm>>
      %dma_start3A_91 = arith.constant 0 : i32
      %dma_start3A_92 = tpu.memref_slice %arg2[%add3A_50, %dma_start3A_91] : memref<180224x128xf32, #tpu.memory_space<hbm>> -> memref<512x128xf32, #tpu.memory_space<hbm>>
      tpu.enqueue_dma source(%dma_start3A_92 : memref<512x128xf32, #tpu.memory_space<hbm>>) target(%arg6 : memref<512x128xf32, #tpu.memory_space<vmem>>) target_semaphore(%run_scoped3A : memref<!tpu.dma_semaphore, #tpu.memory_space<semaphore_mem>>)
      %dma_wait3A_93 = arith.constant 0 : i32
      %dma_wait3A_94 = tpu.memref_slice %arg2[%add3A_50, %dma_wait3A_93] : memref<180224x128xf32, #tpu.memory_space<hbm>> -> memref<512x128xf32, #tpu.memory_space<hbm>>
      %dma_wait3A_95 = arith.constant 0 : i32
      %dma_wait3A_96 = tpu.memref_slice %arg2[%add3A_50, %dma_wait3A_95] : memref<180224x128xf32, #tpu.memory_space<hbm>> -> memref<512x128xf32, #tpu.memory_space<hbm>>
      tpu.wait_dma2 semaphore(%run_scoped3A : memref<!tpu.dma_semaphore, #tpu.memory_space<semaphore_mem>>) src(%dma_wait3A_96 : memref<512x128xf32, #tpu.memory_space<hbm>>) dst(%arg6 : memref<512x128xf32, #tpu.memory_space<vmem>>)
      tpu.yield
    }) : () -> ()
    %dma_start3A_51 = arith.constant 0 : i32
    %dma_start3A_52 = arith.constant 0 : i32
    %dma_start3A_53 = tpu.memref_slice %arg4[%dma_start3A_51, %dma_start3A_52] : memref<180224x128xf32, #tpu.memory_space<hbm>> -> memref<180224x128xf32, #tpu.memory_space<hbm>>
    tpu.enqueue_indirect_dma source(%arg6 : memref<512x128xf32, #tpu.memory_space<vmem>>) target(%dma_start3A_53 : memref<180224x128xf32, #tpu.memory_space<hbm>>) offsets(%arg5 : memref<512xi32, #tpu.memory_space<vmem>>) semaphore(%arg7 : memref<!tpu.dma_semaphore, #tpu.memory_space<semaphore_mem>>)
    %dma_wait3A_54 = arith.constant 0 : i32
    %dma_wait3A_55 = arith.constant 0 : i32
    %dma_wait3A_56 = tpu.memref_slice %arg4[%dma_wait3A_54, %dma_wait3A_55] : memref<180224x128xf32, #tpu.memory_space<hbm>> -> memref<180224x128xf32, #tpu.memory_space<hbm>>
    tpu.wait_indirect_dma semaphore(%arg7 : memref<!tpu.dma_semaphore, #tpu.memory_space<semaphore_mem>>) src(%arg6 : memref<512x128xf32, #tpu.memory_space<vmem>>) dst(%dma_wait3A_56 : memref<180224x128xf32, #tpu.memory_space<hbm>>)
    %add3A_57 = arith.constant 3584 : i32
    %add3A_58 = arith.addi %mul3A_2, %add3A_57 : i32
    "tpu.region"() ({
      %run_scoped3A = tpu.sem_alloc : memref<!tpu.dma_semaphore, #tpu.memory_space<semaphore_mem>>
      %dma_start3A_89 = tpu.memref_slice %arg3[%add3A_58] : memref<180224xi32, #tpu.memory_space<hbm>> -> memref<512xi32, #tpu.memory_space<hbm>>
      %dma_start3A_90 = tpu.memref_slice %arg3[%add3A_58] : memref<180224xi32, #tpu.memory_space<hbm>> -> memref<512xi32, #tpu.memory_space<hbm>>
      tpu.enqueue_dma source(%dma_start3A_90 : memref<512xi32, #tpu.memory_space<hbm>>) target(%arg5 : memref<512xi32, #tpu.memory_space<vmem>>) target_semaphore(%run_scoped3A : memref<!tpu.dma_semaphore, #tpu.memory_space<semaphore_mem>>)
      %dma_wait3A_91 = tpu.memref_slice %arg3[%add3A_58] : memref<180224xi32, #tpu.memory_space<hbm>> -> memref<512xi32, #tpu.memory_space<hbm>>
      %dma_wait3A_92 = tpu.memref_slice %arg3[%add3A_58] : memref<180224xi32, #tpu.memory_space<hbm>> -> memref<512xi32, #tpu.memory_space<hbm>>
      tpu.wait_dma2 semaphore(%run_scoped3A : memref<!tpu.dma_semaphore, #tpu.memory_space<semaphore_mem>>) src(%dma_wait3A_92 : memref<512xi32, #tpu.memory_space<hbm>>) dst(%arg5 : memref<512xi32, #tpu.memory_space<vmem>>)
      tpu.yield
    }) : () -> ()
    "tpu.region"() ({
      %run_scoped3A = tpu.sem_alloc : memref<!tpu.dma_semaphore, #tpu.memory_space<semaphore_mem>>
      %dma_start3A_89 = arith.constant 0 : i32
      %dma_start3A_90 = tpu.memref_slice %arg2[%add3A_58, %dma_start3A_89] : memref<180224x128xf32, #tpu.memory_space<hbm>> -> memref<512x128xf32, #tpu.memory_space<hbm>>
      %dma_start3A_91 = arith.constant 0 : i32
      %dma_start3A_92 = tpu.memref_slice %arg2[%add3A_58, %dma_start3A_91] : memref<180224x128xf32, #tpu.memory_space<hbm>> -> memref<512x128xf32, #tpu.memory_space<hbm>>
      tpu.enqueue_dma source(%dma_start3A_92 : memref<512x128xf32, #tpu.memory_space<hbm>>) target(%arg6 : memref<512x128xf32, #tpu.memory_space<vmem>>) target_semaphore(%run_scoped3A : memref<!tpu.dma_semaphore, #tpu.memory_space<semaphore_mem>>)
      %dma_wait3A_93 = arith.constant 0 : i32
      %dma_wait3A_94 = tpu.memref_slice %arg2[%add3A_58, %dma_wait3A_93] : memref<180224x128xf32, #tpu.memory_space<hbm>> -> memref<512x128xf32, #tpu.memory_space<hbm>>
      %dma_wait3A_95 = arith.constant 0 : i32
      %dma_wait3A_96 = tpu.memref_slice %arg2[%add3A_58, %dma_wait3A_95] : memref<180224x128xf32, #tpu.memory_space<hbm>> -> memref<512x128xf32, #tpu.memory_space<hbm>>
      tpu.wait_dma2 semaphore(%run_scoped3A : memref<!tpu.dma_semaphore, #tpu.memory_space<semaphore_mem>>) src(%dma_wait3A_96 : memref<512x128xf32, #tpu.memory_space<hbm>>) dst(%arg6 : memref<512x128xf32, #tpu.memory_space<vmem>>)
      tpu.yield
    }) : () -> ()
    %dma_start3A_59 = arith.constant 0 : i32
    %dma_start3A_60 = arith.constant 0 : i32
    %dma_start3A_61 = tpu.memref_slice %arg4[%dma_start3A_59, %dma_start3A_60] : memref<180224x128xf32, #tpu.memory_space<hbm>> -> memref<180224x128xf32, #tpu.memory_space<hbm>>
    tpu.enqueue_indirect_dma source(%arg6 : memref<512x128xf32, #tpu.memory_space<vmem>>) target(%dma_start3A_61 : memref<180224x128xf32, #tpu.memory_space<hbm>>) offsets(%arg5 : memref<512xi32, #tpu.memory_space<vmem>>) semaphore(%arg7 : memref<!tpu.dma_semaphore, #tpu.memory_space<semaphore_mem>>)
    %dma_wait3A_62 = arith.constant 0 : i32
    %dma_wait3A_63 = arith.constant 0 : i32
    %dma_wait3A_64 = tpu.memref_slice %arg4[%dma_wait3A_62, %dma_wait3A_63] : memref<180224x128xf32, #tpu.memory_space<hbm>> -> memref<180224x128xf32, #tpu.memory_space<hbm>>
    tpu.wait_indirect_dma semaphore(%arg7 : memref<!tpu.dma_semaphore, #tpu.memory_space<semaphore_mem>>) src(%arg6 : memref<512x128xf32, #tpu.memory_space<vmem>>) dst(%dma_wait3A_64 : memref<180224x128xf32, #tpu.memory_space<hbm>>)
    %add3A_65 = arith.constant 4096 : i32
    %add3A_66 = arith.addi %mul3A_2, %add3A_65 : i32
    "tpu.region"() ({
      %run_scoped3A = tpu.sem_alloc : memref<!tpu.dma_semaphore, #tpu.memory_space<semaphore_mem>>
      %dma_start3A_89 = tpu.memref_slice %arg3[%add3A_66] : memref<180224xi32, #tpu.memory_space<hbm>> -> memref<512xi32, #tpu.memory_space<hbm>>
      %dma_start3A_90 = tpu.memref_slice %arg3[%add3A_66] : memref<180224xi32, #tpu.memory_space<hbm>> -> memref<512xi32, #tpu.memory_space<hbm>>
      tpu.enqueue_dma source(%dma_start3A_90 : memref<512xi32, #tpu.memory_space<hbm>>) target(%arg5 : memref<512xi32, #tpu.memory_space<vmem>>) target_semaphore(%run_scoped3A : memref<!tpu.dma_semaphore, #tpu.memory_space<semaphore_mem>>)
      %dma_wait3A_91 = tpu.memref_slice %arg3[%add3A_66] : memref<180224xi32, #tpu.memory_space<hbm>> -> memref<512xi32, #tpu.memory_space<hbm>>
      %dma_wait3A_92 = tpu.memref_slice %arg3[%add3A_66] : memref<180224xi32, #tpu.memory_space<hbm>> -> memref<512xi32, #tpu.memory_space<hbm>>
      tpu.wait_dma2 semaphore(%run_scoped3A : memref<!tpu.dma_semaphore, #tpu.memory_space<semaphore_mem>>) src(%dma_wait3A_92 : memref<512xi32, #tpu.memory_space<hbm>>) dst(%arg5 : memref<512xi32, #tpu.memory_space<vmem>>)
      tpu.yield
    }) : () -> ()
    "tpu.region"() ({
      %run_scoped3A = tpu.sem_alloc : memref<!tpu.dma_semaphore, #tpu.memory_space<semaphore_mem>>
      %dma_start3A_89 = arith.constant 0 : i32
      %dma_start3A_90 = tpu.memref_slice %arg2[%add3A_66, %dma_start3A_89] : memref<180224x128xf32, #tpu.memory_space<hbm>> -> memref<512x128xf32, #tpu.memory_space<hbm>>
      %dma_start3A_91 = arith.constant 0 : i32
      %dma_start3A_92 = tpu.memref_slice %arg2[%add3A_66, %dma_start3A_91] : memref<180224x128xf32, #tpu.memory_space<hbm>> -> memref<512x128xf32, #tpu.memory_space<hbm>>
      tpu.enqueue_dma source(%dma_start3A_92 : memref<512x128xf32, #tpu.memory_space<hbm>>) target(%arg6 : memref<512x128xf32, #tpu.memory_space<vmem>>) target_semaphore(%run_scoped3A : memref<!tpu.dma_semaphore, #tpu.memory_space<semaphore_mem>>)
      %dma_wait3A_93 = arith.constant 0 : i32
      %dma_wait3A_94 = tpu.memref_slice %arg2[%add3A_66, %dma_wait3A_93] : memref<180224x128xf32, #tpu.memory_space<hbm>> -> memref<512x128xf32, #tpu.memory_space<hbm>>
      %dma_wait3A_95 = arith.constant 0 : i32
      %dma_wait3A_96 = tpu.memref_slice %arg2[%add3A_66, %dma_wait3A_95] : memref<180224x128xf32, #tpu.memory_space<hbm>> -> memref<512x128xf32, #tpu.memory_space<hbm>>
      tpu.wait_dma2 semaphore(%run_scoped3A : memref<!tpu.dma_semaphore, #tpu.memory_space<semaphore_mem>>) src(%dma_wait3A_96 : memref<512x128xf32, #tpu.memory_space<hbm>>) dst(%arg6 : memref<512x128xf32, #tpu.memory_space<vmem>>)
      tpu.yield
    }) : () -> ()
    %dma_start3A_67 = arith.constant 0 : i32
    %dma_start3A_68 = arith.constant 0 : i32
    %dma_start3A_69 = tpu.memref_slice %arg4[%dma_start3A_67, %dma_start3A_68] : memref<180224x128xf32, #tpu.memory_space<hbm>> -> memref<180224x128xf32, #tpu.memory_space<hbm>>
    tpu.enqueue_indirect_dma source(%arg6 : memref<512x128xf32, #tpu.memory_space<vmem>>) target(%dma_start3A_69 : memref<180224x128xf32, #tpu.memory_space<hbm>>) offsets(%arg5 : memref<512xi32, #tpu.memory_space<vmem>>) semaphore(%arg7 : memref<!tpu.dma_semaphore, #tpu.memory_space<semaphore_mem>>)
    %dma_wait3A_70 = arith.constant 0 : i32
    %dma_wait3A_71 = arith.constant 0 : i32
    %dma_wait3A_72 = tpu.memref_slice %arg4[%dma_wait3A_70, %dma_wait3A_71] : memref<180224x128xf32, #tpu.memory_space<hbm>> -> memref<180224x128xf32, #tpu.memory_space<hbm>>
    tpu.wait_indirect_dma semaphore(%arg7 : memref<!tpu.dma_semaphore, #tpu.memory_space<semaphore_mem>>) src(%arg6 : memref<512x128xf32, #tpu.memory_space<vmem>>) dst(%dma_wait3A_72 : memref<180224x128xf32, #tpu.memory_space<hbm>>)
    %add3A_73 = arith.constant 4608 : i32
    %add3A_74 = arith.addi %mul3A_2, %add3A_73 : i32
    "tpu.region"() ({
      %run_scoped3A = tpu.sem_alloc : memref<!tpu.dma_semaphore, #tpu.memory_space<semaphore_mem>>
      %dma_start3A_89 = tpu.memref_slice %arg3[%add3A_74] : memref<180224xi32, #tpu.memory_space<hbm>> -> memref<512xi32, #tpu.memory_space<hbm>>
      %dma_start3A_90 = tpu.memref_slice %arg3[%add3A_74] : memref<180224xi32, #tpu.memory_space<hbm>> -> memref<512xi32, #tpu.memory_space<hbm>>
      tpu.enqueue_dma source(%dma_start3A_90 : memref<512xi32, #tpu.memory_space<hbm>>) target(%arg5 : memref<512xi32, #tpu.memory_space<vmem>>) target_semaphore(%run_scoped3A : memref<!tpu.dma_semaphore, #tpu.memory_space<semaphore_mem>>)
      %dma_wait3A_91 = tpu.memref_slice %arg3[%add3A_74] : memref<180224xi32, #tpu.memory_space<hbm>> -> memref<512xi32, #tpu.memory_space<hbm>>
      %dma_wait3A_92 = tpu.memref_slice %arg3[%add3A_74] : memref<180224xi32, #tpu.memory_space<hbm>> -> memref<512xi32, #tpu.memory_space<hbm>>
      tpu.wait_dma2 semaphore(%run_scoped3A : memref<!tpu.dma_semaphore, #tpu.memory_space<semaphore_mem>>) src(%dma_wait3A_92 : memref<512xi32, #tpu.memory_space<hbm>>) dst(%arg5 : memref<512xi32, #tpu.memory_space<vmem>>)
      tpu.yield
    }) : () -> ()
    "tpu.region"() ({
      %run_scoped3A = tpu.sem_alloc : memref<!tpu.dma_semaphore, #tpu.memory_space<semaphore_mem>>
      %dma_start3A_89 = arith.constant 0 : i32
      %dma_start3A_90 = tpu.memref_slice %arg2[%add3A_74, %dma_start3A_89] : memref<180224x128xf32, #tpu.memory_space<hbm>> -> memref<512x128xf32, #tpu.memory_space<hbm>>
      %dma_start3A_91 = arith.constant 0 : i32
      %dma_start3A_92 = tpu.memref_slice %arg2[%add3A_74, %dma_start3A_91] : memref<180224x128xf32, #tpu.memory_space<hbm>> -> memref<512x128xf32, #tpu.memory_space<hbm>>
      tpu.enqueue_dma source(%dma_start3A_92 : memref<512x128xf32, #tpu.memory_space<hbm>>) target(%arg6 : memref<512x128xf32, #tpu.memory_space<vmem>>) target_semaphore(%run_scoped3A : memref<!tpu.dma_semaphore, #tpu.memory_space<semaphore_mem>>)
      %dma_wait3A_93 = arith.constant 0 : i32
      %dma_wait3A_94 = tpu.memref_slice %arg2[%add3A_74, %dma_wait3A_93] : memref<180224x128xf32, #tpu.memory_space<hbm>> -> memref<512x128xf32, #tpu.memory_space<hbm>>
      %dma_wait3A_95 = arith.constant 0 : i32
      %dma_wait3A_96 = tpu.memref_slice %arg2[%add3A_74, %dma_wait3A_95] : memref<180224x128xf32, #tpu.memory_space<hbm>> -> memref<512x128xf32, #tpu.memory_space<hbm>>
      tpu.wait_dma2 semaphore(%run_scoped3A : memref<!tpu.dma_semaphore, #tpu.memory_space<semaphore_mem>>) src(%dma_wait3A_96 : memref<512x128xf32, #tpu.memory_space<hbm>>) dst(%arg6 : memref<512x128xf32, #tpu.memory_space<vmem>>)
      tpu.yield
    }) : () -> ()
    %dma_start3A_75 = arith.constant 0 : i32
    %dma_start3A_76 = arith.constant 0 : i32
    %dma_start3A_77 = tpu.memref_slice %arg4[%dma_start3A_75, %dma_start3A_76] : memref<180224x128xf32, #tpu.memory_space<hbm>> -> memref<180224x128xf32, #tpu.memory_space<hbm>>
    tpu.enqueue_indirect_dma source(%arg6 : memref<512x128xf32, #tpu.memory_space<vmem>>) target(%dma_start3A_77 : memref<180224x128xf32, #tpu.memory_space<hbm>>) offsets(%arg5 : memref<512xi32, #tpu.memory_space<vmem>>) semaphore(%arg7 : memref<!tpu.dma_semaphore, #tpu.memory_space<semaphore_mem>>)
    %dma_wait3A_78 = arith.constant 0 : i32
    %dma_wait3A_79 = arith.constant 0 : i32
    %dma_wait3A_80 = tpu.memref_slice %arg4[%dma_wait3A_78, %dma_wait3A_79] : memref<180224x128xf32, #tpu.memory_space<hbm>> -> memref<180224x128xf32, #tpu.memory_space<hbm>>
    tpu.wait_indirect_dma semaphore(%arg7 : memref<!tpu.dma_semaphore, #tpu.memory_space<semaphore_mem>>) src(%arg6 : memref<512x128xf32, #tpu.memory_space<vmem>>) dst(%dma_wait3A_80 : memref<180224x128xf32, #tpu.memory_space<hbm>>)
    %add3A_81 = arith.constant 5120 : i32
    %add3A_82 = arith.addi %mul3A_2, %add3A_81 : i32
    "tpu.region"() ({
      %run_scoped3A = tpu.sem_alloc : memref<!tpu.dma_semaphore, #tpu.memory_space<semaphore_mem>>
      %dma_start3A_89 = tpu.memref_slice %arg3[%add3A_82] : memref<180224xi32, #tpu.memory_space<hbm>> -> memref<512xi32, #tpu.memory_space<hbm>>
      %dma_start3A_90 = tpu.memref_slice %arg3[%add3A_82] : memref<180224xi32, #tpu.memory_space<hbm>> -> memref<512xi32, #tpu.memory_space<hbm>>
      tpu.enqueue_dma source(%dma_start3A_90 : memref<512xi32, #tpu.memory_space<hbm>>) target(%arg5 : memref<512xi32, #tpu.memory_space<vmem>>) target_semaphore(%run_scoped3A : memref<!tpu.dma_semaphore, #tpu.memory_space<semaphore_mem>>)
      %dma_wait3A_91 = tpu.memref_slice %arg3[%add3A_82] : memref<180224xi32, #tpu.memory_space<hbm>> -> memref<512xi32, #tpu.memory_space<hbm>>
      %dma_wait3A_92 = tpu.memref_slice %arg3[%add3A_82] : memref<180224xi32, #tpu.memory_space<hbm>> -> memref<512xi32, #tpu.memory_space<hbm>>
      tpu.wait_dma2 semaphore(%run_scoped3A : memref<!tpu.dma_semaphore, #tpu.memory_space<semaphore_mem>>) src(%dma_wait3A_92 : memref<512xi32, #tpu.memory_space<hbm>>) dst(%arg5 : memref<512xi32, #tpu.memory_space<vmem>>)
      tpu.yield
    }) : () -> ()
    "tpu.region"() ({
      %run_scoped3A = tpu.sem_alloc : memref<!tpu.dma_semaphore, #tpu.memory_space<semaphore_mem>>
      %dma_start3A_89 = arith.constant 0 : i32
      %dma_start3A_90 = tpu.memref_slice %arg2[%add3A_82, %dma_start3A_89] : memref<180224x128xf32, #tpu.memory_space<hbm>> -> memref<512x128xf32, #tpu.memory_space<hbm>>
      %dma_start3A_91 = arith.constant 0 : i32
      %dma_start3A_92 = tpu.memref_slice %arg2[%add3A_82, %dma_start3A_91] : memref<180224x128xf32, #tpu.memory_space<hbm>> -> memref<512x128xf32, #tpu.memory_space<hbm>>
      tpu.enqueue_dma source(%dma_start3A_92 : memref<512x128xf32, #tpu.memory_space<hbm>>) target(%arg6 : memref<512x128xf32, #tpu.memory_space<vmem>>) target_semaphore(%run_scoped3A : memref<!tpu.dma_semaphore, #tpu.memory_space<semaphore_mem>>)
      %dma_wait3A_93 = arith.constant 0 : i32
      %dma_wait3A_94 = tpu.memref_slice %arg2[%add3A_82, %dma_wait3A_93] : memref<180224x128xf32, #tpu.memory_space<hbm>> -> memref<512x128xf32, #tpu.memory_space<hbm>>
      %dma_wait3A_95 = arith.constant 0 : i32
      %dma_wait3A_96 = tpu.memref_slice %arg2[%add3A_82, %dma_wait3A_95] : memref<180224x128xf32, #tpu.memory_space<hbm>> -> memref<512x128xf32, #tpu.memory_space<hbm>>
      tpu.wait_dma2 semaphore(%run_scoped3A : memref<!tpu.dma_semaphore, #tpu.memory_space<semaphore_mem>>) src(%dma_wait3A_96 : memref<512x128xf32, #tpu.memory_space<hbm>>) dst(%arg6 : memref<512x128xf32, #tpu.memory_space<vmem>>)
      tpu.yield
    }) : () -> ()
    %dma_start3A_83 = arith.constant 0 : i32
    %dma_start3A_84 = arith.constant 0 : i32
    %dma_start3A_85 = tpu.memref_slice %arg4[%dma_start3A_83, %dma_start3A_84] : memref<180224x128xf32, #tpu.memory_space<hbm>> -> memref<180224x128xf32, #tpu.memory_space<hbm>>
    tpu.enqueue_indirect_dma source(%arg6 : memref<512x128xf32, #tpu.memory_space<vmem>>) target(%dma_start3A_85 : memref<180224x128xf32, #tpu.memory_space<hbm>>) offsets(%arg5 : memref<512xi32, #tpu.memory_space<vmem>>) semaphore(%arg7 : memref<!tpu.dma_semaphore, #tpu.memory_space<semaphore_mem>>)
    %dma_wait3A_86 = arith.constant 0 : i32
    %dma_wait3A_87 = arith.constant 0 : i32
    %dma_wait3A_88 = tpu.memref_slice %arg4[%dma_wait3A_86, %dma_wait3A_87] : memref<180224x128xf32, #tpu.memory_space<hbm>> -> memref<180224x128xf32, #tpu.memory_space<hbm>>
    tpu.wait_indirect_dma semaphore(%arg7 : memref<!tpu.dma_semaphore, #tpu.memory_space<semaphore_mem>>) src(%arg6 : memref<512x128xf32, #tpu.memory_space<vmem>>) dst(%dma_wait3A_88 : memref<180224x128xf32, #tpu.memory_space<hbm>>)
    return
  }
}

module attributes {stable_mosaic.version = 14 : i64} {
  func.func @_conv1_body(%arg0: i32, %arg1: memref<128x4096xf32, #tpu.memory_space<vmem>>, %arg2: memref<64x128xf32, #tpu.memory_space<vmem>>, %arg3: memref<2x4096x128xf32, #tpu.memory_space<vmem>>, %arg4: memref<2x64xf32, #tpu.memory_space<vmem>>) attributes {dimension_semantics = [#tpu.dimension_semantics<arbitrary>], iteration_bounds = array<i64: 22>, scalar_prefetch = 0 : i64, scratch_operands = 0 : i64, tpu.core_type = #tpu.core_type<tc>, window_params = [{transform_indices = @transform_0, window_bounds = array<i64: 128, 4096>}, {pipeline_mode = #tpu.pipeline_mode<synchronous>, transform_indices = @transform_1, window_bounds = array<i64: 64, 128>}, {transform_indices = @transform_2, window_bounds = array<i64: 2, 4096, 128>}, {pipeline_mode = #tpu.pipeline_mode<synchronous>, transform_indices = @transform_3, window_bounds = array<i64: 2, 64>}]} {
    %get3A = arith.constant 0 : index
    %get3A_0 = arith.constant 0 : index
    %get3A_1 = vector.load %arg1[%get3A, %get3A_0] : memref<128x4096xf32, #tpu.memory_space<vmem>>, vector<128x4096xf32>
    %get3A_2 = arith.constant 0 : index
    %get3A_3 = arith.constant 0 : index
    %get3A_4 = vector.load %arg2[%get3A_2, %get3A_3] : memref<64x128xf32, #tpu.memory_space<vmem>>, vector<64x128xf32>
    %dot_general3A = arith.constant dense<0.000000e+00> : vector<4096x64xf32>
    %dot_general3A_5 = tpu.matmul %get3A_1, %get3A_4, %dot_general3A {dimension_numbers = #tpu.dot_dimension_numbers<[0], [1], [1], [0], [0, 1, 1, 0], [], []>, transpose_lhs_hint = false} : vector<128x4096xf32>, vector<64x128xf32>, vector<4096x64xf32> -> vector<4096x64xf32>
    %broadcast_in_dim3A = arith.constant 0.000000e+00 : f32
    %broadcast_in_dim3A_6 = vector.broadcast %broadcast_in_dim3A : f32 to vector<4096x96xf32>
    %slice3A = vector.extract_strided_slice %dot_general3A_5 {offsets = [0, 0], sizes = [4096, 32], strides = [1, 1]} : vector<4096x64xf32> to vector<4096x32xf32>
    %concatenate3A = tpu.concatenate %slice3A, %broadcast_in_dim3A_6 in 1 : vector<4096x32xf32>, vector<4096x96xf32> -> vector<4096x128xf32>
    %swap3A = arith.constant 0 : index
    %swap3A_7 = arith.constant 0 : index
    %swap3A_8 = arith.constant 0 : index
    %swap3A_9 = vector.load %arg3[%swap3A, %swap3A_7, %swap3A_8] : memref<2x4096x128xf32, #tpu.memory_space<vmem>>, vector<1x4096x128xf32>
    %swap3A_10 = vector.shape_cast %swap3A_9 : vector<1x4096x128xf32> to vector<4096x128xf32>
    %swap3A_11 = vector.shape_cast %concatenate3A : vector<4096x128xf32> to vector<1x4096x128xf32>
    tpu.vector_store %arg3[%swap3A, %swap3A_7, %swap3A_8], %swap3A_11 {strides = array<i32>} : memref<2x4096x128xf32, #tpu.memory_space<vmem>>, vector<1x4096x128xf32>,
    %slice3A_12 = vector.extract_strided_slice %dot_general3A_5 {offsets = [0, 32], sizes = [4096, 32], strides = [1, 1]} : vector<4096x64xf32> to vector<4096x32xf32>
    %concatenate3A_13 = tpu.concatenate %slice3A_12, %broadcast_in_dim3A_6 in 1 : vector<4096x32xf32>, vector<4096x96xf32> -> vector<4096x128xf32>
    %swap3A_14 = arith.constant 1 : index
    %swap3A_15 = arith.constant 0 : index
    %swap3A_16 = arith.constant 0 : index
    %swap3A_17 = vector.load %arg3[%swap3A_14, %swap3A_15, %swap3A_16] : memref<2x4096x128xf32, #tpu.memory_space<vmem>>, vector<1x4096x128xf32>
    %swap3A_18 = vector.shape_cast %swap3A_17 : vector<1x4096x128xf32> to vector<4096x128xf32>
    %swap3A_19 = vector.shape_cast %concatenate3A_13 : vector<4096x128xf32> to vector<1x4096x128xf32>
    tpu.vector_store %arg3[%swap3A_14, %swap3A_15, %swap3A_16], %swap3A_19 {strides = array<i32>} : memref<2x4096x128xf32, #tpu.memory_space<vmem>>, vector<1x4096x128xf32>,
    %iota3A = tpu.iota {dimensions = array<i32: 0>} : vector<4096x1xi32>
    %mul3A = arith.constant 4096 : i32
    %mul3A_20 = arith.muli %arg0, %mul3A : i32
    %add3A = vector.broadcast %mul3A_20 : i32 to vector<4096x1xi32>
    %add3A_21 = arith.addi %iota3A, %add3A : vector<4096x1xi32>
    %lt3A = arith.constant 90000 : i32
    %lt3A_22 = vector.broadcast %lt3A : i32 to vector<4096x1xi32>
    %lt3A_23 = arith.cmpi slt, %add3A_21, %lt3A_22 : vector<4096x1xi32>
    %jit3A = arith.constant 0.000000e+00 : f32
    %broadcast_in_dim3A_24 = vector.shape_cast %lt3A_23 : vector<4096x1xi1> to vector<4096x1xi1>
    %broadcast_in_dim3A_25 = vector.broadcast %broadcast_in_dim3A_24 : vector<4096x1xi1> to vector<4096x64xi1>
    %broadcast_in_dim3A_26 = vector.broadcast %jit3A : f32 to vector<4096x64xf32>
    %select_n3A = arith.select %broadcast_in_dim3A_25, %dot_general3A_5, %broadcast_in_dim3A_26 : vector<4096x64xi1>, vector<4096x64xf32>
    %reduce_sum3A = arith.constant dense<0.000000e+00> : vector<64xf32>
    %reduce_sum3A_27 = vector.multi_reduction <add>, %select_n3A, %reduce_sum3A [0] : vector<4096x64xf32> to vector<64xf32>
    %mul3A_28 = arith.mulf %select_n3A, %select_n3A : vector<4096x64xf32>
    %reduce_sum3A_29 = arith.constant dense<0.000000e+00> : vector<64xf32>
    %reduce_sum3A_30 = vector.multi_reduction <add>, %mul3A_28, %reduce_sum3A_29 [0] : vector<4096x64xf32> to vector<64xf32>
    %stack3A = vector.shape_cast %reduce_sum3A_27 : vector<64xf32> to vector<1x64xf32>
    %stack3A_31 = vector.shape_cast %reduce_sum3A_30 : vector<64xf32> to vector<1x64xf32>
    %stack3A_32 = tpu.concatenate %stack3A, %stack3A_31 in 0 : vector<1x64xf32>, vector<1x64xf32> -> vector<2x64xf32>
    %eq3A = arith.constant 0 : i32
    %eq3A_33 = arith.cmpi eq, %arg0, %eq3A : i32
    %convert_element_type3A = arith.extui %eq3A_33 : i1 to i32
    %cond3A = arith.constant 0 : i32
    %cond3A_34 = arith.cmpi ne, %convert_element_type3A, %cond3A : i32
    scf.if %cond3A_34 {
      %swap3A_39 = arith.constant 0 : index
      %swap3A_40 = arith.constant 0 : index
      %swap3A_41 = vector.load %arg4[%swap3A_39, %swap3A_40] : memref<2x64xf32, #tpu.memory_space<vmem>>, vector<2x64xf32>
      tpu.vector_store %arg4[%swap3A_39, %swap3A_40], %stack3A_32 {strides = array<i32>} : memref<2x64xf32, #tpu.memory_space<vmem>>, vector<2x64xf32>,
    } else {
    }
    %gt3A = arith.constant 0 : i32
    %gt3A_35 = arith.cmpi sgt, %arg0, %gt3A : i32
    %convert_element_type3A_36 = arith.extui %gt3A_35 : i1 to i32
    %cond3A_37 = arith.constant 0 : i32
    %cond3A_38 = arith.cmpi ne, %convert_element_type3A_36, %cond3A_37 : i32
    scf.if %cond3A_38 {
      %get3A_39 = arith.constant 0 : index
      %get3A_40 = arith.constant 0 : index
      %get3A_41 = vector.load %arg4[%get3A_39, %get3A_40] : memref<2x64xf32, #tpu.memory_space<vmem>>, vector<2x64xf32>
      %add3A_42 = arith.addf %get3A_41, %stack3A_32 : vector<2x64xf32>
      %swap3A_43 = arith.constant 0 : index
      %swap3A_44 = arith.constant 0 : index
      %swap3A_45 = vector.load %arg4[%swap3A_43, %swap3A_44] : memref<2x64xf32, #tpu.memory_space<vmem>>, vector<2x64xf32>
      tpu.vector_store %arg4[%swap3A_43, %swap3A_44], %add3A_42 {strides = array<i32>} : memref<2x64xf32, #tpu.memory_space<vmem>>, vector<2x64xf32>,
    } else {
    }
    return
  }
  func.func @transform_0(%arg0: i32) -> (i32, i32) {
    %c0_i32 = arith.constant 0 : i32
    %c0_i32_0 = arith.constant 0 : i32
    return %c0_i32, %arg0 : i32, i32
  }
  func.func @transform_1(%arg0: i32) -> (i32, i32) {
    %c0_i32 = arith.constant 0 : i32
    %c0_i32_0 = arith.constant 0 : i32
    %c0_i32_1 = arith.constant 0 : i32
    return %c0_i32, %c0_i32_0 : i32, i32
  }
  func.func @transform_2(%arg0: i32) -> (i32, i32, i32) {
    %c0_i32 = arith.constant 0 : i32
    %c0_i32_0 = arith.constant 0 : i32
    %c0_i32_1 = arith.constant 0 : i32
    return %c0_i32, %arg0, %c0_i32_0 : i32, i32, i32
  }
  func.func @transform_3(%arg0: i32) -> (i32, i32) {
    %c0_i32 = arith.constant 0 : i32
    %c0_i32_0 = arith.constant 0 : i32
    %c0_i32_1 = arith.constant 0 : i32
    return %c0_i32, %c0_i32_0 : i32, i32
  }
}

module attributes {stable_mosaic.version = 14 : i64} {
  func.func @_attn_body(%arg0: i32, %arg1: memref<2400x128xf32, #tpu.memory_space<vmem>>, %arg2: memref<8x32xf32, #tpu.memory_space<vmem>>, %arg3: memref<8x32xf32, #tpu.memory_space<vmem>>, %arg4: memref<32x32xf32, #tpu.memory_space<vmem>>, %arg5: memref<64x32xf32, #tpu.memory_space<vmem>>, %arg6: memref<8x300x32xf32, #tpu.memory_space<vmem>>) attributes {dimension_semantics = [#tpu.dimension_semantics<arbitrary>], iteration_bounds = array<i64: 75>, scalar_prefetch = 0 : i64, scratch_operands = 0 : i64, tpu.core_type = #tpu.core_type<tc>, window_params = [{transform_indices = @transform_0, window_bounds = array<i64: 2400, 128>}, {transform_indices = @transform_1, window_bounds = array<i64: 8, 32>}, {transform_indices = @transform_2, window_bounds = array<i64: 8, 32>}, {pipeline_mode = #tpu.pipeline_mode<synchronous>, transform_indices = @transform_3, window_bounds = array<i64: 32, 32>}, {pipeline_mode = #tpu.pipeline_mode<synchronous>, transform_indices = @transform_4, window_bounds = array<i64: 64, 32>}, {transform_indices = @transform_5, window_bounds = array<i64: 8, 300, 32>}]} {
    %get3A = arith.constant 0 : index
    %get3A_0 = arith.constant 0 : index
    %get3A_1 = vector.load %arg1[%get3A, %get3A_0] : memref<2400x128xf32, #tpu.memory_space<vmem>>, vector<2400x128xf32>
    %slice3A = vector.extract_strided_slice %get3A_1 {offsets = [0, 0], sizes = [2400, 32], strides = [1, 1]} : vector<2400x128xf32> to vector<2400x32xf32>
    %reshape3A = vector.shape_cast %slice3A : vector<2400x32xf32> to vector<8x300x32xf32>
    %get3A_2 = arith.constant 0 : index
    %get3A_3 = arith.constant 0 : index
    %get3A_4 = vector.load %arg2[%get3A_2, %get3A_3] : memref<8x32xf32, #tpu.memory_space<vmem>>, vector<8x32xf32>
    %broadcast_in_dim3A = vector.shape_cast %get3A_4 : vector<8x32xf32> to vector<8x1x32xf32>
    %mul3A = vector.broadcast %broadcast_in_dim3A : vector<8x1x32xf32> to vector<8x300x32xf32>
    %mul3A_5 = arith.mulf %reshape3A, %mul3A : vector<8x300x32xf32>
    %get3A_6 = arith.constant 0 : index
    %get3A_7 = arith.constant 0 : index
    %get3A_8 = vector.load %arg3[%get3A_6, %get3A_7] : memref<8x32xf32, #tpu.memory_space<vmem>>, vector<8x32xf32>
    %broadcast_in_dim3A_9 = vector.shape_cast %get3A_8 : vector<8x32xf32> to vector<8x1x32xf32>
    %add3A = vector.broadcast %broadcast_in_dim3A_9 : vector<8x1x32xf32> to vector<8x300x32xf32>
    %add3A_10 = arith.addf %mul3A_5, %add3A : vector<8x300x32xf32>
    %max3A = arith.constant 0.000000e+00 : f32
    %max3A_11 = vector.broadcast %max3A : f32 to vector<8x300x32xf32>
    %max3A_12 = arith.maximumf %add3A_10, %max3A_11 : vector<8x300x32xf32>
    %reshape3A_13 = vector.shape_cast %max3A_12 : vector<8x300x32xf32> to vector<2400x32xf32>
    %get3A_14 = arith.constant 0 : index
    %get3A_15 = arith.constant 0 : index
    %get3A_16 = vector.load %arg4[%get3A_14, %get3A_15] : memref<32x32xf32, #tpu.memory_space<vmem>>, vector<32x32xf32>
    %dot_general3A = arith.constant dense<0.000000e+00> : vector<2400x32xf32>
    %dot_general3A_17 = tpu.matmul %reshape3A_13, %get3A_16, %dot_general3A {dimension_numbers = #tpu.dot_dimension_numbers<[1], [1], [0], [0], [0, 0, 1, 0], [], []>, transpose_lhs_hint = false} : vector<2400x32xf32>, vector<32x32xf32>, vector<2400x32xf32> -> vector<2400x32xf32>
    %get3A_18 = arith.constant 0 : index
    %get3A_19 = arith.constant 0 : index
    %get3A_20 = vector.load %arg5[%get3A_18, %get3A_19] : memref<64x32xf32, #tpu.memory_space<vmem>>, vector<64x32xf32>
    %dot_general3A_21 = arith.constant dense<0.000000e+00> : vector<2400x64xf32>
    %dot_general3A_22 = tpu.matmul %reshape3A_13, %get3A_20, %dot_general3A_21 {dimension_numbers = #tpu.dot_dimension_numbers<[1], [1], [0], [0], [0, 0, 1, 0], [], []>, transpose_lhs_hint = false} : vector<2400x32xf32>, vector<64x32xf32>, vector<2400x64xf32> -> vector<2400x64xf32>
    %reshape3A_23 = vector.shape_cast %dot_general3A_17 : vector<2400x32xf32> to vector<8x300x32xf32>
    %slice3A_24 = vector.extract_strided_slice %dot_general3A_22 {offsets = [0, 0], sizes = [2400, 32], strides = [1, 1]} : vector<2400x64xf32> to vector<2400x32xf32>
    %reshape3A_25 = vector.shape_cast %slice3A_24 : vector<2400x32xf32> to vector<8x300x32xf32>
    %slice3A_26 = vector.extract_strided_slice %dot_general3A_22 {offsets = [0, 32], sizes = [2400, 32], strides = [1, 1]} : vector<2400x64xf32> to vector<2400x32xf32>
    %reshape3A_27 = vector.shape_cast %slice3A_26 : vector<2400x32xf32> to vector<8x300x32xf32>
    %dot_general3A_28 = arith.constant dense<0.000000e+00> : vector<8x300x300xf32>
    %dot_general3A_29 = tpu.matmul %reshape3A_23, %reshape3A_25, %dot_general3A_28 {dimension_numbers = #tpu.dot_dimension_numbers<[2], [2], [1], [1], [0, 0, 0, 1, 1, 1], [0], [0]>, transpose_lhs_hint = false} : vector<8x300x32xf32>, vector<8x300x32xf32>, vector<8x300x300xf32> -> vector<8x300x300xf32>
    %mul3A_30 = arith.constant 0.176776692 : f32
    %mul3A_31 = vector.broadcast %mul3A_30 : f32 to vector<8x300x300xf32>
    %mul3A_32 = arith.mulf %dot_general3A_29, %mul3A_31 : vector<8x300x300xf32>
    %reduce_max3A = arith.constant dense<0xFF800000> : vector<8x300xf32>
    %reduce_max3A_33 = vector.multi_reduction <maximumf>, %mul3A_32, %reduce_max3A [2] : vector<8x300x300xf32> to vector<8x300xf32>
    %broadcast_in_dim3A_34 = vector.shape_cast %reduce_max3A_33 : vector<8x300xf32> to vector<8x300x1xf32>
    %sub3A = vector.broadcast %broadcast_in_dim3A_34 : vector<8x300x1xf32> to vector<8x300x300xf32>
    %sub3A_35 = arith.subf %mul3A_32, %sub3A : vector<8x300x300xf32>
    %exp3A = math.exp %sub3A_35 : vector<8x300x300xf32>
    %reduce_sum3A = arith.constant dense<0.000000e+00> : vector<8x300xf32>
    %reduce_sum3A_36 = vector.multi_reduction <add>, %exp3A, %reduce_sum3A [2] : vector<8x300x300xf32> to vector<8x300xf32>
    %broadcast_in_dim3A_37 = vector.shape_cast %reduce_sum3A_36 : vector<8x300xf32> to vector<8x300x1xf32>
    %div3A = vector.broadcast %broadcast_in_dim3A_37 : vector<8x300x1xf32> to vector<8x300x300xf32>
    %div3A_38 = arith.divf %exp3A, %div3A : vector<8x300x300xf32>
    %dot_general3A_39 = arith.constant dense<0.000000e+00> : vector<8x300x32xf32>
    %dot_general3A_40 = tpu.matmul %div3A_38, %reshape3A_27, %dot_general3A_39 {dimension_numbers = #tpu.dot_dimension_numbers<[2], [1], [1], [2], [0, 0, 0, 1, 1, 2], [0], [0]>, transpose_lhs_hint = false} : vector<8x300x300xf32>, vector<8x300x32xf32>, vector<8x300x32xf32> -> vector<8x300x32xf32>
    %swap3A = arith.constant 0 : index
    %swap3A_41 = arith.constant 0 : index
    %swap3A_42 = arith.constant 0 : index
    %swap3A_43 = vector.load %arg6[%swap3A, %swap3A_41, %swap3A_42] : memref<8x300x32xf32, #tpu.memory_space<vmem>>, vector<8x300x32xf32>
    tpu.vector_store %arg6[%swap3A, %swap3A_41, %swap3A_42], %dot_general3A_40 {strides = array<i32>} : memref<8x300x32xf32, #tpu.memory_space<vmem>>, vector<8x300x32xf32>,
    return
  }
  func.func @transform_0(%arg0: i32) -> (i32, i32) {
    %c0_i32 = arith.constant 0 : i32
    %c0_i32_0 = arith.constant 0 : i32
    return %arg0, %c0_i32 : i32, i32
  }
  func.func @transform_1(%arg0: i32) -> (i32, i32) {
    %c0_i32 = arith.constant 0 : i32
    %c0_i32_0 = arith.constant 0 : i32
    return %arg0, %c0_i32 : i32, i32
  }
  func.func @transform_2(%arg0: i32) -> (i32, i32) {
    %c0_i32 = arith.constant 0 : i32
    %c0_i32_0 = arith.constant 0 : i32
    return %arg0, %c0_i32 : i32, i32
  }
  func.func @transform_3(%arg0: i32) -> (i32, i32) {
    %c0_i32 = arith.constant 0 : i32
    %c0_i32_0 = arith.constant 0 : i32
    %c0_i32_1 = arith.constant 0 : i32
    return %c0_i32, %c0_i32_0 : i32, i32
  }
  func.func @transform_4(%arg0: i32) -> (i32, i32) {
    %c0_i32 = arith.constant 0 : i32
    %c0_i32_0 = arith.constant 0 : i32
    %c0_i32_1 = arith.constant 0 : i32
    return %c0_i32, %c0_i32_0 : i32, i32
  }
  func.func @transform_5(%arg0: i32) -> (i32, i32, i32) {
    %c0_i32 = arith.constant 0 : i32
    %c0_i32_0 = arith.constant 0 : i32
    %c0_i32_1 = arith.constant 0 : i32
    return %arg0, %c0_i32, %c0_i32_0 : i32, i32, i32
  }
}

module attributes {stable_mosaic.version = 14 : i64} {
  func.func @_outconv2_body(%arg0: i32, %arg1: memref<3600x128xf32, #tpu.memory_space<vmem>>, %arg2: memref<3600x128xf32, #tpu.memory_space<vmem>>, %arg3: memref<3600x128xf32, #tpu.memory_space<vmem>>, %arg4: memref<3600x128xf32, #tpu.memory_space<vmem>>, %arg5: memref<1x64xf32, #tpu.memory_space<vmem>>, %arg6: memref<1x64xf32, #tpu.memory_space<vmem>>, %arg7: memref<64x64xf32, #tpu.memory_space<vmem>>, %arg8: memref<1x64xf32, #tpu.memory_space<vmem>>, %arg9: memref<64x128xf32, #tpu.memory_space<vmem>>, %arg10: memref<3600x64xf32, #tpu.memory_space<vmem>>, %arg11: memref<2x64xf32, #tpu.memory_space<vmem>>) attributes {dimension_semantics = [#tpu.dimension_semantics<arbitrary>], iteration_bounds = array<i64: 25>, scalar_prefetch = 0 : i64, scratch_operands = 0 : i64, tpu.core_type = #tpu.core_type<tc>, window_params = [{transform_indices = @transform_0, window_bounds = array<i64: 3600, 128>}, {transform_indices = @transform_1, window_bounds = array<i64: 3600, 128>}, {transform_indices = @transform_2, window_bounds = array<i64: 3600, 128>}, {transform_indices = @transform_3, window_bounds = array<i64: 3600, 128>}, {pipeline_mode = #tpu.pipeline_mode<synchronous>, transform_indices = @transform_4, window_bounds = array<i64: 1, 64>}, {pipeline_mode = #tpu.pipeline_mode<synchronous>, transform_indices = @transform_5, window_bounds = array<i64: 1, 64>}, {pipeline_mode = #tpu.pipeline_mode<synchronous>, transform_indices = @transform_6, window_bounds = array<i64: 64, 64>}, {pipeline_mode = #tpu.pipeline_mode<synchronous>, transform_indices = @transform_7, window_bounds = array<i64: 1, 64>}, {pipeline_mode = #tpu.pipeline_mode<synchronous>, transform_indices = @transform_8, window_bounds = array<i64: 64, 128>}, {transform_indices = @transform_9, window_bounds = array<i64: 3600, 64>}, {pipeline_mode = #tpu.pipeline_mode<synchronous>, transform_indices = @transform_10, window_bounds = array<i64: 2, 64>}]} {
    %get3A = arith.constant 0 : index
    %get3A_0 = arith.constant 0 : index
    %get3A_1 = vector.load %arg1[%get3A, %get3A_0] : memref<3600x128xf32, #tpu.memory_space<vmem>>, vector<3600x128xf32>
    %slice3A = vector.extract_strided_slice %get3A_1 {offsets = [0, 0], sizes = [3600, 32], strides = [1, 1]} : vector<3600x128xf32> to vector<3600x32xf32>
    %get3A_2 = arith.constant 0 : index
    %get3A_3 = arith.constant 0 : index
    %get3A_4 = vector.load %arg2[%get3A_2, %get3A_3] : memref<3600x128xf32, #tpu.memory_space<vmem>>, vector<3600x128xf32>
    %slice3A_5 = vector.extract_strided_slice %get3A_4 {offsets = [0, 0], sizes = [3600, 32], strides = [1, 1]} : vector<3600x128xf32> to vector<3600x32xf32>
    %concatenate3A = tpu.concatenate %slice3A, %slice3A_5 in 1 : vector<3600x32xf32>, vector<3600x32xf32> -> vector<3600x64xf32>
    %get3A_6 = arith.constant 0 : index
    %get3A_7 = arith.constant 0 : index
    %get3A_8 = vector.load %arg7[%get3A_6, %get3A_7] : memref<64x64xf32, #tpu.memory_space<vmem>>, vector<64x64xf32>
    %dot_general3A = arith.constant dense<0.000000e+00> : vector<3600x64xf32>
    %dot_general3A_9 = tpu.matmul %concatenate3A, %get3A_8, %dot_general3A {dimension_numbers = #tpu.dot_dimension_numbers<[1], [1], [0], [0], [0, 0, 1, 0], [], []>, transpose_lhs_hint = false} : vector<3600x64xf32>, vector<64x64xf32>, vector<3600x64xf32> -> vector<3600x64xf32>
    %get3A_10 = arith.constant 0 : index
    %get3A_11 = arith.constant 0 : index
    %get3A_12 = vector.load %arg8[%get3A_10, %get3A_11] : memref<1x64xf32, #tpu.memory_space<vmem>>, vector<1x64xf32>
    %add3A = vector.broadcast %get3A_12 : vector<1x64xf32> to vector<3600x64xf32>
    %add3A_13 = arith.addf %dot_general3A_9, %add3A : vector<3600x64xf32>
    %max3A = arith.constant 0.000000e+00 : f32
    %max3A_14 = vector.broadcast %max3A : f32 to vector<3600x64xf32>
    %max3A_15 = arith.maximumf %add3A_13, %max3A_14 : vector<3600x64xf32>
    %get3A_16 = arith.constant 0 : index
    %get3A_17 = arith.constant 0 : index
    %get3A_18 = vector.load %arg3[%get3A_16, %get3A_17] : memref<3600x128xf32, #tpu.memory_space<vmem>>, vector<3600x128xf32>
    %slice3A_19 = vector.extract_strided_slice %get3A_18 {offsets = [0, 0], sizes = [3600, 32], strides = [1, 1]} : vector<3600x128xf32> to vector<3600x32xf32>
    %get3A_20 = arith.constant 0 : index
    %get3A_21 = arith.constant 0 : index
    %get3A_22 = vector.load %arg4[%get3A_20, %get3A_21] : memref<3600x128xf32, #tpu.memory_space<vmem>>, vector<3600x128xf32>
    %slice3A_23 = vector.extract_strided_slice %get3A_22 {offsets = [0, 0], sizes = [3600, 32], strides = [1, 1]} : vector<3600x128xf32> to vector<3600x32xf32>
    %concatenate3A_24 = tpu.concatenate %slice3A_19, %slice3A_23 in 1 : vector<3600x32xf32>, vector<3600x32xf32> -> vector<3600x64xf32>
    %get3A_25 = arith.constant 0 : index
    %get3A_26 = arith.constant 0 : index
    %get3A_27 = vector.load %arg5[%get3A_25, %get3A_26] : memref<1x64xf32, #tpu.memory_space<vmem>>, vector<1x64xf32>
    %mul3A = vector.broadcast %get3A_27 : vector<1x64xf32> to vector<3600x64xf32>
    %mul3A_28 = arith.mulf %concatenate3A_24, %mul3A : vector<3600x64xf32>
    %get3A_29 = arith.constant 0 : index
    %get3A_30 = arith.constant 0 : index
    %get3A_31 = vector.load %arg6[%get3A_29, %get3A_30] : memref<1x64xf32, #tpu.memory_space<vmem>>, vector<1x64xf32>
    %add3A_32 = vector.broadcast %get3A_31 : vector<1x64xf32> to vector<3600x64xf32>
    %add3A_33 = arith.addf %mul3A_28, %add3A_32 : vector<3600x64xf32>
    %max3A_34 = arith.constant 0.000000e+00 : f32
    %max3A_35 = vector.broadcast %max3A_34 : f32 to vector<3600x64xf32>
    %max3A_36 = arith.maximumf %add3A_33, %max3A_35 : vector<3600x64xf32>
    %get3A_37 = arith.constant 0 : index
    %get3A_38 = arith.constant 0 : index
    %get3A_39 = vector.load %arg9[%get3A_37, %get3A_38] : memref<64x128xf32, #tpu.memory_space<vmem>>, vector<64x128xf32>
    %slice3A_40 = vector.extract_strided_slice %get3A_39 {offsets = [0, 0], sizes = [64, 64], strides = [1, 1]} : vector<64x128xf32> to vector<64x64xf32>
    %dot_general3A_41 = arith.constant dense<0.000000e+00> : vector<3600x64xf32>
    %dot_general3A_42 = tpu.matmul %max3A_15, %slice3A_40, %dot_general3A_41 {dimension_numbers = #tpu.dot_dimension_numbers<[1], [1], [0], [0], [0, 0, 1, 0], [], []>, transpose_lhs_hint = false} : vector<3600x64xf32>, vector<64x64xf32>, vector<3600x64xf32> -> vector<3600x64xf32>
    %slice3A_43 = vector.extract_strided_slice %get3A_39 {offsets = [0, 64], sizes = [64, 64], strides = [1, 1]} : vector<64x128xf32> to vector<64x64xf32>
    %dot_general3A_44 = arith.constant dense<0.000000e+00> : vector<3600x64xf32>
    %dot_general3A_45 = tpu.matmul %max3A_36, %slice3A_43, %dot_general3A_44 {dimension_numbers = #tpu.dot_dimension_numbers<[1], [1], [0], [0], [0, 0, 1, 0], [], []>, transpose_lhs_hint = false} : vector<3600x64xf32>, vector<64x64xf32>, vector<3600x64xf32> -> vector<3600x64xf32>
    %add3A_46 = arith.addf %dot_general3A_42, %dot_general3A_45 : vector<3600x64xf32>
    %swap3A = arith.constant 0 : index
    %swap3A_47 = arith.constant 0 : index
    %swap3A_48 = vector.load %arg10[%swap3A, %swap3A_47] : memref<3600x64xf32, #tpu.memory_space<vmem>>, vector<3600x64xf32>
    tpu.vector_store %arg10[%swap3A, %swap3A_47], %add3A_46 {strides = array<i32>} : memref<3600x64xf32, #tpu.memory_space<vmem>>, vector<3600x64xf32>,
    %reduce_sum3A = arith.constant dense<0.000000e+00> : vector<64xf32>
    %reduce_sum3A_49 = vector.multi_reduction <add>, %add3A_46, %reduce_sum3A [0] : vector<3600x64xf32> to vector<64xf32>
    %mul3A_50 = arith.mulf %add3A_46, %add3A_46 : vector<3600x64xf32>
    %reduce_sum3A_51 = arith.constant dense<0.000000e+00> : vector<64xf32>
    %reduce_sum3A_52 = vector.multi_reduction <add>, %mul3A_50, %reduce_sum3A_51 [0] : vector<3600x64xf32> to vector<64xf32>
    %stack3A = vector.shape_cast %reduce_sum3A_49 : vector<64xf32> to vector<1x64xf32>
    %stack3A_53 = vector.shape_cast %reduce_sum3A_52 : vector<64xf32> to vector<1x64xf32>
    %stack3A_54 = tpu.concatenate %stack3A, %stack3A_53 in 0 : vector<1x64xf32>, vector<1x64xf32> -> vector<2x64xf32>
    %eq3A = arith.constant 0 : i32
    %eq3A_55 = arith.cmpi eq, %arg0, %eq3A : i32
    %convert_element_type3A = arith.extui %eq3A_55 : i1 to i32
    %cond3A = arith.constant 0 : i32
    %cond3A_56 = arith.cmpi ne, %convert_element_type3A, %cond3A : i32
    scf.if %cond3A_56 {
      %swap3A_61 = arith.constant 0 : index
      %swap3A_62 = arith.constant 0 : index
      %swap3A_63 = vector.load %arg11[%swap3A_61, %swap3A_62] : memref<2x64xf32, #tpu.memory_space<vmem>>, vector<2x64xf32>
      tpu.vector_store %arg11[%swap3A_61, %swap3A_62], %stack3A_54 {strides = array<i32>} : memref<2x64xf32, #tpu.memory_space<vmem>>, vector<2x64xf32>,
    } else {
    }
    %gt3A = arith.constant 0 : i32
    %gt3A_57 = arith.cmpi sgt, %arg0, %gt3A : i32
    %convert_element_type3A_58 = arith.extui %gt3A_57 : i1 to i32
    %cond3A_59 = arith.constant 0 : i32
    %cond3A_60 = arith.cmpi ne, %convert_element_type3A_58, %cond3A_59 : i32
    scf.if %cond3A_60 {
      %get3A_61 = arith.constant 0 : index
      %get3A_62 = arith.constant 0 : index
      %get3A_63 = vector.load %arg11[%get3A_61, %get3A_62] : memref<2x64xf32, #tpu.memory_space<vmem>>, vector<2x64xf32>
      %add3A_64 = arith.addf %get3A_63, %stack3A_54 : vector<2x64xf32>
      %swap3A_65 = arith.constant 0 : index
      %swap3A_66 = arith.constant 0 : index
      %swap3A_67 = vector.load %arg11[%swap3A_65, %swap3A_66] : memref<2x64xf32, #tpu.memory_space<vmem>>, vector<2x64xf32>
      tpu.vector_store %arg11[%swap3A_65, %swap3A_66], %add3A_64 {strides = array<i32>} : memref<2x64xf32, #tpu.memory_space<vmem>>, vector<2x64xf32>,
    } else {
    }
    return
  }
  func.func @transform_0(%arg0: i32) -> (i32, i32) {
    %c0_i32 = arith.constant 0 : i32
    %c0_i32_0 = arith.constant 0 : i32
    return %arg0, %c0_i32 : i32, i32
  }
  func.func @transform_1(%arg0: i32) -> (i32, i32) {
    %add3A = arith.constant 25 : i32
    %add3A_0 = arith.addi %arg0, %add3A : i32
    %c0_i32 = arith.constant 0 : i32
    %c0_i32_1 = arith.constant 0 : i32
    return %add3A_0, %c0_i32 : i32, i32
  }
  func.func @transform_2(%arg0: i32) -> (i32, i32) {
    %c0_i32 = arith.constant 0 : i32
    %c0_i32_0 = arith.constant 0 : i32
    return %arg0, %c0_i32 : i32, i32
  }
  func.func @transform_3(%arg0: i32) -> (i32, i32) {
    %add3A = arith.constant 25 : i32
    %add3A_0 = arith.addi %arg0, %add3A : i32
    %c0_i32 = arith.constant 0 : i32
    %c0_i32_1 = arith.constant 0 : i32
    return %add3A_0, %c0_i32 : i32, i32
  }
  func.func @transform_4(%arg0: i32) -> (i32, i32) {
    %c0_i32 = arith.constant 0 : i32
    %c0_i32_0 = arith.constant 0 : i32
    %c0_i32_1 = arith.constant 0 : i32
    return %c0_i32, %c0_i32_0 : i32, i32
  }
  func.func @transform_5(%arg0: i32) -> (i32, i32) {
    %c0_i32 = arith.constant 0 : i32
    %c0_i32_0 = arith.constant 0 : i32
    %c0_i32_1 = arith.constant 0 : i32
    return %c0_i32, %c0_i32_0 : i32, i32
  }
  func.func @transform_6(%arg0: i32) -> (i32, i32) {
    %c0_i32 = arith.constant 0 : i32
    %c0_i32_0 = arith.constant 0 : i32
    %c0_i32_1 = arith.constant 0 : i32
    return %c0_i32, %c0_i32_0 : i32, i32
  }
  func.func @transform_7(%arg0: i32) -> (i32, i32) {
    %c0_i32 = arith.constant 0 : i32
    %c0_i32_0 = arith.constant 0 : i32
    %c0_i32_1 = arith.constant 0 : i32
    return %c0_i32, %c0_i32_0 : i32, i32
  }
  func.func @transform_8(%arg0: i32) -> (i32, i32) {
    %c0_i32 = arith.constant 0 : i32
    %c0_i32_0 = arith.constant 0 : i32
    %c0_i32_1 = arith.constant 0 : i32
    return %c0_i32, %c0_i32_0 : i32, i32
  }
  func.func @transform_9(%arg0: i32) -> (i32, i32) {
    %c0_i32 = arith.constant 0 : i32
    %c0_i32_0 = arith.constant 0 : i32
    return %arg0, %c0_i32 : i32, i32
  }
  func.func @transform_10(%arg0: i32) -> (i32, i32) {
    %c0_i32 = arith.constant 0 : i32
    %c0_i32_0 = arith.constant 0 : i32
    %c0_i32_1 = arith.constant 0 : i32
    return %c0_i32, %c0_i32_0 : i32, i32
  }
}

module attributes {stable_mosaic.version = 14 : i64} {
  func.func @_bn2_body(%arg0: i32, %arg1: memref<4096x64xf32, #tpu.memory_space<vmem>>, %arg2: memref<2x64xf32, #tpu.memory_space<vmem>>, %arg3: memref<1x64xf32, #tpu.memory_space<vmem>>, %arg4: memref<1x64xf32, #tpu.memory_space<vmem>>, %arg5: memref<64x4096xf32, #tpu.memory_space<vmem>>) attributes {dimension_semantics = [#tpu.dimension_semantics<arbitrary>], iteration_bounds = array<i64: 22>, scalar_prefetch = 0 : i64, scratch_operands = 0 : i64, tpu.core_type = #tpu.core_type<tc>, window_params = [{transform_indices = @transform_0, window_bounds = array<i64: 4096, 64>}, {pipeline_mode = #tpu.pipeline_mode<synchronous>, transform_indices = @transform_1, window_bounds = array<i64: 2, 64>}, {pipeline_mode = #tpu.pipeline_mode<synchronous>, transform_indices = @transform_2, window_bounds = array<i64: 1, 64>}, {pipeline_mode = #tpu.pipeline_mode<synchronous>, transform_indices = @transform_3, window_bounds = array<i64: 1, 64>}, {transform_indices = @transform_4, window_bounds = array<i64: 64, 4096>}]} {
    %get3A = arith.constant 0 : index
    %get3A_0 = arith.constant 0 : index
    %get3A_1 = vector.load %arg2[%get3A, %get3A_0] : memref<2x64xf32, #tpu.memory_space<vmem>>, vector<2x64xf32>
    %slice3A = vector.extract_strided_slice %get3A_1 {offsets = [0, 0], sizes = [1, 64], strides = [1, 1]} : vector<2x64xf32> to vector<1x64xf32>
    %mul3A = arith.constant 1.11111112E-5 : f32
    %mul3A_2 = vector.broadcast %mul3A : f32 to vector<1x64xf32>
    %mul3A_3 = arith.mulf %slice3A, %mul3A_2 : vector<1x64xf32>
    %slice3A_4 = vector.extract_strided_slice %get3A_1 {offsets = [1, 0], sizes = [1, 64], strides = [1, 1]} : vector<2x64xf32> to vector<1x64xf32>
    %mul3A_5 = arith.constant 1.11111112E-5 : f32
    %mul3A_6 = vector.broadcast %mul3A_5 : f32 to vector<1x64xf32>
    %mul3A_7 = arith.mulf %slice3A_4, %mul3A_6 : vector<1x64xf32>
    %mul3A_8 = arith.mulf %mul3A_3, %mul3A_3 : vector<1x64xf32>
    %sub3A = arith.subf %mul3A_7, %mul3A_8 : vector<1x64xf32>
    %get3A_9 = arith.constant 0 : index
    %get3A_10 = arith.constant 0 : index
    %get3A_11 = vector.load %arg3[%get3A_9, %get3A_10] : memref<1x64xf32, #tpu.memory_space<vmem>>, vector<1x64xf32>
    %add3A = arith.constant 9.99999974E-6 : f32
    %add3A_12 = vector.broadcast %add3A : f32 to vector<1x64xf32>
    %add3A_13 = arith.addf %sub3A, %add3A_12 : vector<1x64xf32>
    %rsqrt3A = math.rsqrt %add3A_13 : vector<1x64xf32>
    %mul3A_14 = arith.mulf %get3A_11, %rsqrt3A : vector<1x64xf32>
    %get3A_15 = arith.constant 0 : index
    %get3A_16 = arith.constant 0 : index
    %get3A_17 = vector.load %arg4[%get3A_15, %get3A_16] : memref<1x64xf32, #tpu.memory_space<vmem>>, vector<1x64xf32>
    %mul3A_18 = arith.mulf %mul3A_3, %mul3A_14 : vector<1x64xf32>
    %sub3A_19 = arith.subf %get3A_17, %mul3A_18 : vector<1x64xf32>
    %get3A_20 = arith.constant 0 : index
    %get3A_21 = arith.constant 0 : index
    %get3A_22 = vector.load %arg1[%get3A_20, %get3A_21] : memref<4096x64xf32, #tpu.memory_space<vmem>>, vector<4096x64xf32>
    %mul3A_23 = vector.broadcast %mul3A_14 : vector<1x64xf32> to vector<4096x64xf32>
    %mul3A_24 = arith.mulf %get3A_22, %mul3A_23 : vector<4096x64xf32>
    %add3A_25 = vector.broadcast %sub3A_19 : vector<1x64xf32> to vector<4096x64xf32>
    %add3A_26 = arith.addf %mul3A_24, %add3A_25 : vector<4096x64xf32>
    %max3A = arith.constant 0.000000e+00 : f32
    %max3A_27 = vector.broadcast %max3A : f32 to vector<4096x64xf32>
    %max3A_28 = arith.maximumf %add3A_26, %max3A_27 : vector<4096x64xf32>
    %transpose3A = tpu.transpose %max3A_28, [1, 0] : vector<4096x64xf32> -> vector<64x4096xf32>
    %swap3A = arith.constant 0 : index
    %swap3A_29 = arith.constant 0 : index
    %swap3A_30 = vector.load %arg5[%swap3A, %swap3A_29] : memref<64x4096xf32, #tpu.memory_space<vmem>>, vector<64x4096xf32>
    tpu.vector_store %arg5[%swap3A, %swap3A_29], %transpose3A {strides = array<i32>} : memref<64x4096xf32, #tpu.memory_space<vmem>>, vector<64x4096xf32>,
    return
  }
  func.func @transform_0(%arg0: i32) -> (i32, i32) {
    %c0_i32 = arith.constant 0 : i32
    %c0_i32_0 = arith.constant 0 : i32
    return %arg0, %c0_i32 : i32, i32
  }
  func.func @transform_1(%arg0: i32) -> (i32, i32) {
    %c0_i32 = arith.constant 0 : i32
    %c0_i32_0 = arith.constant 0 : i32
    %c0_i32_1 = arith.constant 0 : i32
    return %c0_i32, %c0_i32_0 : i32, i32
  }
  func.func @transform_2(%arg0: i32) -> (i32, i32) {
    %c0_i32 = arith.constant 0 : i32
    %c0_i32_0 = arith.constant 0 : i32
    %c0_i32_1 = arith.constant 0 : i32
    return %c0_i32, %c0_i32_0 : i32, i32
  }
  func.func @transform_3(%arg0: i32) -> (i32, i32) {
    %c0_i32 = arith.constant 0 : i32
    %c0_i32_0 = arith.constant 0 : i32
    %c0_i32_1 = arith.constant 0 : i32
    return %c0_i32, %c0_i32_0 : i32, i32
  }
  func.func @transform_4(%arg0: i32) -> (i32, i32) {
    %c0_i32 = arith.constant 0 : i32
    %c0_i32_0 = arith.constant 0 : i32
    return %c0_i32, %arg0 : i32, i32
  }
}

</mosaic_0001>

<sc_bundles>
// kernel: kernel.11.cloned.1.call-start
scs
__scs_entry_jumppad:
0x0: {  	(pc) =	sbr.rel $0x88, $3  }
0x1: {  	(tag) =	ssettag $0x0;
	lr =	simm.s32 $0x1  }
0x2: {  	[smem:$0x3F93] =	sst lr;
	_ =	strace $0xD0000000  }
0x3: {  	_ = 	snop  }
0x4: {  	_ = 	snop  }
0x5: {  	_ = 	snop  }
0x6: {  	_ = 	snop  }
0x7: {  	_ = 	snop  }
__scs_overlays_trampoline_lowered:
0x8: {  	[smem:$0x3FA2] =	sst s0  }
0x9: {  	[smem:$0x3FA3] =	sst s1  }
0xa: {  	[smem:$0x3FA4] =	sst s2  }
0xb: {  	[smem:$0x3FA5] =	sst s3  }
0xc: {  	[smem:$0x3FA6] =	sst s4  }
0xd: {  	[smem:$0x3FA7] =	sst s5  }
0xe: {  	[smem:$0x3FA8] =	sst s6  }
0xf: {  	[smem:$0x3FA9] =	sst s7  }
0x10: {  	[smem:$0x3FAA] =	sst s8  }
0x11: {  	[smem:$0x3FAB] =	sst s9;
	s0 =	simm.s32 @!p0 $0x0  }
0x12: {  	s1 =	sld [smem:$0x3F91];
	s0 =	simm.s32 @p0 $0x1  }
0x13: {  	[smem:$0x3FAC] =	sst s0;
	s0 =	simm.s32 @!p1 $0x0  }
0x14: {  	s2 =	sld [smem:$0x3F90];
	s0 =	simm.s32 @p1 $0x1  }
0x15: {  	[smem:$0x3FAD] =	sst s0;
	s0 =	simm.s32 @!p2 $0x0  }
0x16: {  	s3 =	sld [smem:$0x3FDB];
	s0 =	simm.s32 @p2 $0x1  }
0x17: {  	s4 =	simm.s32 $0x1BF5;
	[smem:$0x3FAF] =	sst s0  }
0x18: {  	s0 =	sld [smem:$0x3F92];
	_ =	swait.ge [sflag:s4], $0x0  }
0x19: {  	s7 =	sld [smem:$0x3F93]  }
0x1a: {  	s8 =	sadd.s32 $0xFFFFE003, lr  }
0x1b: {  	s9 =	sadd.s32 $0xFFFFFEF7, lr;
	s5 =	simm.s32 $0xFFFFFFFF;
	p2 =	slt.u32 s8, $0xFFFFF086  }
0x1c: {  	p1 =	slt.u32 s9, $0xF7A;
	s5 =	simm.s32 @!p2 $0x0  }
0x1d: {  	s5 =	simm.s32 @p1 $0x1;
	p0 =	seq.s32 s7, s2  }
0x1e: {  	s7 =	smul.u32 @!p0 $0xF7A, s2;
	p2 =	seq.s32 @!p0 s5, $0x0  }
0x1f: {  	s9 =	smul.u32 $0xF7A, s1;
	s8 =	simm.s32 @!p0 $0x1BF5;
	p2 =	por !p2, p0  }
0x20: {  	[sflag:s8] =	ssyncset.s32 @!p0 $0xFFFFF086;
	s6 =	sadd.s32 @!p0 s3, s7;
	s7 =	simm.s32 @!p0 $0x108  }
0x21: {  	s3 =	sadd.s32 s3, s9;
	s6 =	sadd.s32 @!p0 $0x88, s6;
	s7 =	simm.s32 @p2 $0x1082  }
0x22: {  	[simem:s7], [sflag:s8] =	dma.local @!p0 [hbm:s6], $0xF7A  }
0x23: {  	s9 =	sor.u32 $0xD0000000, s2;
	s6 =	simm.s32 $0x108;
	_ =	swait.ge @!p0 [sflag:s8], $0x0  }
0x24: {  	s3 =	sadd.s32 $0x88, s3;
	s6 =	simm.s32 @!p1 $0x1082;
	[sflag:s4] =	ssyncset.s32 $0xFFFFF086  }
0x25: {  	[simem:s6], [sflag:s4] =	dma.local [hbm:s3], $0xF7A  }
0x26: {  	[smem:$0x3F93] =	sst s1;
	(tag) =	ssettag s2;
	_ =	strace s9  }
0x27: {  	s1 =	sld [smem:$0x3FA3]  }
0x28: {  	s2 =	sld [smem:$0x3FA4]  }
0x29: {  	s4 =	sld [smem:$0x3FA6]  }
0x2a: {  	p0 =	seq.s32 s5, $0x0;
	s5 =	sld [smem:$0x3FA7]  }
0x2b: {  	s6 =	sld [smem:$0x3FA8]  }
0x2c: {  	s7 =	sld [smem:$0x3FA9]  }
0x2d: {  	s3 =	simm.s32 $0x108;
	s8 =	sld [smem:$0x3FAA]  }
0x2e: {  	s3 =	simm.s32 @!p0 $0x1082;
	s9 =	sld [smem:$0x3FAB]  }
0x2f: {  	lr =	sadd.s32 s0, s3;
	s0 =	sld [smem:$0x3FA2]  }
0x30: {  	s3 =	sld [smem:$0x3FA5]  }
0x31: {  	[smem:$0x3FAE] =	sst s10  }
0x32: {  	s10 =	sld [smem:$0x3FAC];
	_ =	sdelay $0x3  }
0x33: {  	p0 =	seq.s32 s10, $0x1;
	s10 =	sld [smem:$0x3FAE];
	_ =	sdelay $0x3  }
0x34: {  	[smem:$0x3FAE] =	sst s10  }
0x35: {  	s10 =	sld [smem:$0x3FAD];
	_ =	sdelay $0x3  }
0x36: {  	p1 =	seq.s32 s10, $0x1;
	s10 =	sld [smem:$0x3FAE];
	_ =	sdelay $0x3  }
0x37: {  	[smem:$0x3FAE] =	sst s10  }
0x38: {  	s10 =	sld [smem:$0x3FAF]  }
0x39: {  	_ = 	snop;
	(pc) =	sbr.ind lr, $3  }
0x3a: {  	_ = 	snop  }
0x3b: {  	_ = 	snop  }
0x3c: {  	p2 =	seq.s32 s10, $0x1;
	s10 =	sld [smem:$0x3FAE]  }
0x3d: {  	_ =	shalt  }
0x3e: {  	_ =	shalt  }
0x3f: {  	_ =	shalt  }
0x40: {  	_ =	shalt  }
0x41: {  	_ =	shalt  }
0x42: {  	_ =	shalt  }
0x43: {  	_ =	shalt  }
0x44: {  	_ =	shalt  }
0x45: {  	_ =	shalt  }
0x46: {  	_ =	shalt  }
0x47: {  	_ =	shalt  }
0x48: {  	_ =	shalt  }
0x49: {  	_ =	shalt  }
0x4a: {  	_ =	shalt  }
0x4b: {  	_ =	shalt  }
0x4c: {  	_ =	shalt  }
0x4d: {  	_ =	shalt  }
0x4e: {  	_ =	shalt  }
0x4f: {  	_ =	shalt  }
0x50: {  	_ =	shalt  }
0x51: {  	_ =	shalt  }
0x52: {  	_ =	shalt  }
0x53: {  	_ =	shalt  }
0x54: {  	_ =	shalt  }
0x55: {  	_ =	shalt  }
0x56: {  	_ =	shalt  }
0x57: {  	_ =	shalt  }
0x58: {  	_ =	shalt  }
0x59: {  	_ =	shalt  }
0x5a: {  	_ =	shalt  }
0x5b: {  	_ =	shalt  }
0x5c: {  	_ =	shalt  }
0x5d: {  	_ =	shalt  }
0x5e: {  	_ =	shalt  }
0x5f: {  	_ =	shalt  }
0x60: {  	_ =	shalt  }
0x61: {  	_ =	shalt  }
0x62: {  	_ =	shalt  }
0x63: {  	_ =	shalt  }
0x64: {  	_ =	shalt  }
0x65: {  	_ =	shalt  }
0x66: {  	_ =	shalt  }
0x67: {  	_ =	shalt  }
0x68: {  	_ =	shalt  }
0x69: {  	_ =	shalt  }
0x6a: {  	_ =	shalt  }
0x6b: {  	_ =	shalt  }
0x6c: {  	_ =	shalt  }
0x6d: {  	_ =	shalt  }
0x6e: {  	_ =	shalt  }
0x6f: {  	_ =	shalt  }
0x70: {  	_ =	shalt  }
0x71: {  	_ =	shalt  }
0x72: {  	_ =	shalt  }
0x73: {  	_ =	shalt  }
0x74: {  	_ =	shalt  }
0x75: {  	_ =	shalt  }
0x76: {  	_ =	shalt  }
0x77: {  	_ =	shalt  }
0x78: {  	_ =	shalt  }
0x79: {  	_ =	shalt  }
0x7a: {  	_ =	shalt  }
0x7b: {  	_ =	shalt  }
0x7c: {  	_ =	shalt  }
0x7d: {  	_ =	shalt  }
0x7e: {  	_ =	shalt  }
0x7f: {  	_ =	shalt  }
0x80: {  	_ =	shalt  }
0x81: {  	_ =	shalt  }
0x82: {  	_ =	shalt  }
0x83: {  	_ =	shalt  }
0x84: {  	_ =	shalt  }
0x85: {  	_ =	shalt  }
0x86: {  	_ =	shalt  }
0x87: {  	_ =	shalt  }
.Lfunc_end0:
.L_simem_size_0:
called_computation.1_lowered:
.L_overlay_start_0:
0x88: {  	s2 =	sld [smem:$0x3FD9]  }
0x89: {  	s3 =	sld [smem:$0x3FFE];
	_ =	sdelay $0x1  }
0x8a: {  	s1 =	srdreg.scid  }
0x8b: {  	s0 =	sand.u32 $0x1, s1  }
0x8c: {  	s16 =	sshll.u32 s0, $0xA;
	s2 =	sadd.s32 s3, s2  }
0x8d: {  	s2 =	sadd.s32 s2, s16  }
0x8e: {  	[smem:$0x3FBA] =	sst s2  }
0x8f: {  	_ = 	snop  }
0x90: {  	(tm) =	ssettm $0x1  }
0x91: {  	s17 =	sld [smem:$0x3FFB];
	_ =	sdelay $0x3  }
0x92: {  	_ =	strace s17  }
0x93: {  	s2 =	sld [smem:$0x3FFC];
	_ =	sdelay $0x3  }
0x94: {  	_ =	strace s2  }
0x95: {  	s2 =	sld [smem:$0x3FFD];
	_ =	sdelay $0x3  }
0x96: {  	_ =	strace s2  }
0x97: {  	_ =	strace $0x8FFFFFFF  }
0x98: {  	s18 =	sld [smem:$0x3FDB];
	_ =	sdelay $0x1  }
0x99: {  	s19 =	simm.s32 $_scs_section_size  }
0x9a: {  	s4 =	simm.s32 $_size__tile_overlayer_lowered;
	s5 =	simm.s32 $_tile_overlayer_lowered  }
0x9b: {  	s22 =	simm.s32 $0x1BFF;
	s21 =	sshll.u32 s5, $0x1;
	s2 =	sadd.s32 s19, s18  }
0x9c: {  	s6 =	simm.s32 $0x0;
	s20 =	sshll.u32 s4, $0x1;
	s4 =	sadd.s32 s21, s2  }
0x9d: {  	[timem:s6], [sflag:s22] =	dma.local [hbm:s4], s20  }
0x9e: {  	_ =	swait.ge [sflag:s22], s20  }
0x9f: {  	s3 =	ssub.s32 $0x0, s20;
	[sflag:s22] =	ssyncset.done $0x0  }
0xa0: {  	[sflag:s22] =	ssyncadd.s32 s3;
	_ =	sdelay $0x1  }
0xa1: {  	s23 =	simm.s32 $0x1B8B  }
0xa2: {  	_ =	swait.ge [sflag:s23], $0x1  }
0xa3: {  	[sflag:s23] =	ssyncset.done $0x0  }
0xa4: {  	s25 =	simm.s32 $0x1B8E;
	s24 =	sld [smem:$0x3FFE];
	[sflag:s23] =	ssyncadd.s32 $0xFFFFFFFF  }
0xa5: {  	s26 =	simm.s32 $execute0_lowered;
	[smem:$0x3FD2] =	sst s25  }
0xa6: {  	s4 =	sshll.u32 s26, $0x1;
	_ =	strace $0x80000049;
	[dreg:$0x1] =	wrdreg $0xFFFFFFFF  }
0xa7: {  	s28 =	simm.s32 $_size_execute0_lowered;
	s2 =	sadd.s32 s2, s4;
	[dreg:$0x0] =	wrdreg $0x0  }
0xa8: {  	s4 =	sshll.u32 s28, $0x1;
	[dreg:$0x2] =	wrdreg s2  }
0xa9: {  	[dreg:$0x3] =	wrdreg s4  }
0xaa: {  	[dreg:$0x4] =	wrdreg $0xC0  }
0xab: {  	_ =	task [dreg:s6], $0x5FFFF  }
0xac: {  	[dreg:$0x1] =	wrdreg $0xFFFFFFFF  }
0xad: {  	[dreg:$0x0] =	wrdreg $0x60  }
0xae: {  	[dreg:$0x2] =	wrdreg s24  }
0xaf: {  	[dreg:$0x3] =	wrdreg $0x9  }
0xb0: {  	_ =	task.clear_ibuf [dreg:s6], $0x4FFFF;
	_ =	strace $0x90000049  }
0xb1: {  	s29 =	simm.s32 $0x9;
	_ =	strace $0x8000004B  }
0xb2: {  	_ =	swait.ge [sflag:s29], $0x1  }
0xb3: {  	[sflag:s29] =	ssyncadd.s32 $0xFFFFFFFF  }
0xb4: {  	_ =	strace $0x9000004B  }
0xb5: {  	_ =	sfence  }
0xb6: {  	s30 =	sld [smem:$0x0];
	_ =	sdelay $0x2  }
0xb7: {  	s31 =	sshll.u32 s1, $0xD;
	s1 =	sshrl.u32 s1, $0x2  }
0xb8: {  	s3 =	sand.u32 $0x4000, s31;
	s1 =	sadd.s32 s1, s30  }
0xb9: {  	s0 =	sor.u32 s3, s0;
	s1 =	sshll.u32 s1, $0x11  }
0xba: {  	s0 =	sor.u32 s1, s0  }
0xbb: {  	s0 =	sadd.s32 $0x8F2B, s0  }
0xbc: {  	[sflag:s0] =	ssyncadd.remote.s32 $0x1  }
0xbd: {  	_ =	sfence.sel $0xFFFF  }
0xbe: {  	[dreg:$0x0] =	wrdreg $0xFFFFFFFF;
	(pc) =	sbr.abs _section_cstart, $3  }
0xbf: {  	[dreg:$0x1] =	wrdreg $0xFFFFFFFF  }
0xc0: {  	_ =	task.clear_ibuf [dreg:s6], $0x2FFFF;
	_ =	strace $0x9FFFFFFF  }
0xc1: {  	(tm) =	ssettm $0x7FFFFFFF  }
tec
execute0_lowered:
.L_overlay_start_1:
0x0: {  	(tag) =	ssettag $0x1  }
0x1: {  	s1 =	srdreg.scid;
	s0 =	stileid.u32  }
0x2: {  	s30 =	sand.u32 $0x1, s1;
	s26 =	sshll.u32 s0, $0x1  }
0x3: {  	s5 =	sor.u32 s30, s26  }
0x4: {  	s29 =	smul.u32 $0x1600, s5  }
0x5: {  	s7 =	rddreg [dreg:$0x0];
	s2 =	simm.s32 $0x0  }
0x6: {  	[smem:$0x7FF] =	sst s2;
	s28 =	sadd.s32 $0x163200, s7;
	s3 =	sshrl.u32 s29, $0x3  }
0x7: {  	s4 =	simm.s32 $0x2;
	_ =	strace $0x8000004A;
	s3 =	sadd.s32 s28, s3  }
0x8: {  	[tilespmem:s2], [sflag:$0x2] =	stream.linear.gather [hbm4b:s3+s2], $0x200, $0x38;
	[tilespmem:$0x10200] =	vst v63  }
0x9: {  	s5 =	smul.u32 $0x16000, s5;
	_ =	swait.ge [sflag:s4], $0x200  }
0xa: {  	s31 =	sadd.s32 $0x6E6E00, s7;
	[sflag:s4] =	ssyncset.done $0x0  }
0xb: {  	s6 =	simm.s32 $0x200;
	s5 =	sadd.s32 s31, s5;
	[sflag:s4] =	ssyncadd.s32 $0xFFFFFE00  }
0xc: {  	[tilespmem:s6], [sflag:$0x2] =	stream.linear.gather [hbm4b:s5+s2], $0x10000, $0x38;
	[tilespmem:$0x10200] =	vst v63  }
0xd: {  	_ =	swait.ge [sflag:s4], $0x10000  }
0xe: {  	[sflag:s4] =	ssyncset.done $0x0  }
0xf: {  	s8 =	sadd.s32 $0x9A6E00, s7;
	s7 =	simm.s32 $0x1;
	[sflag:s4] =	ssyncadd.s32 $0xFFFF0000  }
0x10: {  	[hbm4b:s8+s6] =	stream.indirect.scatter [tilespmem:s6], [sflag:$0x1], $0x80, s2, s6, $0xb8;
	[tilespmem:$0x10200] =	vst v63  }
0x11: {  	s10 =	sadd.s32 $0x200, s29;
	_ =	swait.ge [sflag:s7], $0x10000  }
0x12: {  	s9 =	sshrl.u32 s10, $0x3;
	[sflag:s7] =	ssyncset.done $0x0  }
0x13: {  	s9 =	sadd.s32 s28, s9;
	[sflag:s7] =	ssyncadd.s32 $0xFFFF0000  }
0x14: {  	[tilespmem:s2], [sflag:$0x2] =	stream.linear.gather [hbm4b:s9+s2], $0x200, $0x38;
	[tilespmem:$0x10200] =	vst v63  }
0x15: {  	_ =	swait.ge [sflag:s4], $0x200  }
0x16: {  	s10 =	sshll.u32 s10, $0x4;
	[sflag:s4] =	ssyncset.done $0x0  }
0x17: {  	s10 =	sadd.s32 s31, s10;
	[sflag:s4] =	ssyncadd.s32 $0xFFFFFE00  }
0x18: {  	[tilespmem:s6], [sflag:$0x2] =	stream.linear.gather [hbm4b:s10+s2], $0x10000, $0x38;
	[tilespmem:$0x10200] =	vst v63  }
0x19: {  	_ =	swait.ge [sflag:s4], $0x10000  }
0x1a: {  	[sflag:s4] =	ssyncset.done $0x0  }
0x1b: {  	[sflag:s4] =	ssyncadd.s32 $0xFFFF0000  }
0x1c: {  	[hbm4b:s8+s6] =	stream.indirect.scatter [tilespmem:s6], [sflag:$0x1], $0x80, s2, s6, $0xb8;
	[tilespmem:$0x10200] =	vst v63  }
0x1d: {  	s12 =	sadd.s32 $0x400, s29;
	_ =	swait.ge [sflag:s7], $0x10000  }
0x1e: {  	s11 =	sshrl.u32 s12, $0x3;
	[sflag:s7] =	ssyncset.done $0x0  }
0x1f: {  	s11 =	sadd.s32 s28, s11;
	[sflag:s7] =	ssyncadd.s32 $0xFFFF0000  }
0x20: {  	[tilespmem:s2], [sflag:$0x2] =	stream.linear.gather [hbm4b:s11+s2], $0x200, $0x38;
	[tilespmem:$0x10200] =	vst v63  }
0x21: {  	_ =	swait.ge [sflag:s4], $0x200  }
0x22: {  	s12 =	sshll.u32 s12, $0x4;
	[sflag:s4] =	ssyncset.done $0x0  }
0x23: {  	s12 =	sadd.s32 s31, s12;
	[sflag:s4] =	ssyncadd.s32 $0xFFFFFE00  }
0x24: {  	[tilespmem:s6], [sflag:$0x2] =	stream.linear.gather [hbm4b:s12+s2], $0x10000, $0x38;
	[tilespmem:$0x10200] =	vst v63  }
0x25: {  	_ =	swait.ge [sflag:s4], $0x10000  }
0x26: {  	[sflag:s4] =	ssyncset.done $0x0  }
0x27: {  	[sflag:s4] =	ssyncadd.s32 $0xFFFF0000  }
0x28: {  	[hbm4b:s8+s6] =	stream.indirect.scatter [tilespmem:s6], [sflag:$0x1], $0x80, s2, s6, $0xb8;
	[tilespmem:$0x10200] =	vst v63  }
0x29: {  	s14 =	sadd.s32 $0x600, s29;
	_ =	swait.ge [sflag:s7], $0x10000  }
0x2a: {  	s13 =	sshrl.u32 s14, $0x3;
	[sflag:s7] =	ssyncset.done $0x0  }
0x2b: {  	s13 =	sadd.s32 s28, s13;
	[sflag:s7] =	ssyncadd.s32 $0xFFFF0000  }
0x2c: {  	[tilespmem:s2], [sflag:$0x2] =	stream.linear.gather [hbm4b:s13+s2], $0x200, $0x38;
	[tilespmem:$0x10200] =	vst v63  }
0x2d: {  	_ =	swait.ge [sflag:s4], $0x200  }
0x2e: {  	s14 =	sshll.u32 s14, $0x4;
	[sflag:s4] =	ssyncset.done $0x0  }
0x2f: {  	s14 =	sadd.s32 s31, s14;
	[sflag:s4] =	ssyncadd.s32 $0xFFFFFE00  }
0x30: {  	[tilespmem:s6], [sflag:$0x2] =	stream.linear.gather [hbm4b:s14+s2], $0x10000, $0x38;
	[tilespmem:$0x10200] =	vst v63  }
0x31: {  	_ =	swait.ge [sflag:s4], $0x10000  }
0x32: {  	[sflag:s4] =	ssyncset.done $0x0  }
0x33: {  	[sflag:s4] =	ssyncadd.s32 $0xFFFF0000  }
0x34: {  	[hbm4b:s8+s6] =	stream.indirect.scatter [tilespmem:s6], [sflag:$0x1], $0x80, s2, s6, $0xb8;
	[tilespmem:$0x10200] =	vst v63  }
0x35: {  	s16 =	sadd.s32 $0x800, s29;
	_ =	swait.ge [sflag:s7], $0x10000  }
0x36: {  	s15 =	sshrl.u32 s16, $0x3;
	[sflag:s7] =	ssyncset.done $0x0  }
0x37: {  	s15 =	sadd.s32 s28, s15;
	[sflag:s7] =	ssyncadd.s32 $0xFFFF0000  }
0x38: {  	[tilespmem:s2], [sflag:$0x2] =	stream.linear.gather [hbm4b:s15+s2], $0x200, $0x38;
	[tilespmem:$0x10200] =	vst v63  }
0x39: {  	_ =	swait.ge [sflag:s4], $0x200  }
0x3a: {  	s16 =	sshll.u32 s16, $0x4;
	[sflag:s4] =	ssyncset.done $0x0  }
0x3b: {  	s16 =	sadd.s32 s31, s16;
	[sflag:s4] =	ssyncadd.s32 $0xFFFFFE00  }
0x3c: {  	[tilespmem:s6], [sflag:$0x2] =	stream.linear.gather [hbm4b:s16+s2], $0x10000, $0x38;
	[tilespmem:$0x10200] =	vst v63  }
0x3d: {  	_ =	swait.ge [sflag:s4], $0x10000  }
0x3e: {  	[sflag:s4] =	ssyncset.done $0x0  }
0x3f: {  	[sflag:s4] =	ssyncadd.s32 $0xFFFF0000  }
0x40: {  	[hbm4b:s8+s6] =	stream.indirect.scatter [tilespmem:s6], [sflag:$0x1], $0x80, s2, s6, $0xb8;
	[tilespmem:$0x10200] =	vst v63  }
0x41: {  	s18 =	sadd.s32 $0xA00, s29;
	_ =	swait.ge [sflag:s7], $0x10000  }
0x42: {  	s17 =	sshrl.u32 s18, $0x3;
	[sflag:s7] =	ssyncset.done $0x0  }
0x43: {  	s17 =	sadd.s32 s28, s17;
	[sflag:s7] =	ssyncadd.s32 $0xFFFF0000  }
0x44: {  	[tilespmem:s2], [sflag:$0x2] =	stream.linear.gather [hbm4b:s17+s2], $0x200, $0x38;
	[tilespmem:$0x10200] =	vst v63  }
0x45: {  	_ =	swait.ge [sflag:s4], $0x200  }
0x46: {  	s18 =	sshll.u32 s18, $0x4;
	[sflag:s4] =	ssyncset.done $0x0  }
0x47: {  	s18 =	sadd.s32 s31, s18;
	[sflag:s4] =	ssyncadd.s32 $0xFFFFFE00  }
0x48: {  	[tilespmem:s6], [sflag:$0x2] =	stream.linear.gather [hbm4b:s18+s2], $0x10000, $0x38;
	[tilespmem:$0x10200] =	vst v63  }
0x49: {  	_ =	swait.ge [sflag:s4], $0x10000  }
0x4a: {  	[sflag:s4] =	ssyncset.done $0x0  }
0x4b: {  	[sflag:s4] =	ssyncadd.s32 $0xFFFF0000  }
0x4c: {  	[hbm4b:s8+s6] =	stream.indirect.scatter [tilespmem:s6], [sflag:$0x1], $0x80, s2, s6, $0xb8;
	[tilespmem:$0x10200] =	vst v63  }
0x4d: {  	s20 =	sadd.s32 $0xC00, s29;
	_ =	swait.ge [sflag:s7], $0x10000  }
0x4e: {  	s19 =	sshrl.u32 s20, $0x3;
	[sflag:s7] =	ssyncset.done $0x0  }
0x4f: {  	s19 =	sadd.s32 s28, s19;
	[sflag:s7] =	ssyncadd.s32 $0xFFFF0000  }
0x50: {  	[tilespmem:s2], [sflag:$0x2] =	stream.linear.gather [hbm4b:s19+s2], $0x200, $0x38;
	[tilespmem:$0x10200] =	vst v63  }
0x51: {  	_ =	swait.ge [sflag:s4], $0x200  }
0x52: {  	s20 =	sshll.u32 s20, $0x4;
	[sflag:s4] =	ssyncset.done $0x0  }
0x53: {  	s20 =	sadd.s32 s31, s20;
	[sflag:s4] =	ssyncadd.s32 $0xFFFFFE00  }
0x54: {  	[tilespmem:s6], [sflag:$0x2] =	stream.linear.gather [hbm4b:s20+s2], $0x10000, $0x38;
	[tilespmem:$0x10200] =	vst v63  }
0x55: {  	_ =	swait.ge [sflag:s4], $0x10000  }
0x56: {  	[sflag:s4] =	ssyncset.done $0x0  }
0x57: {  	[sflag:s4] =	ssyncadd.s32 $0xFFFF0000  }
0x58: {  	[hbm4b:s8+s6] =	stream.indirect.scatter [tilespmem:s6], [sflag:$0x1], $0x80, s2, s6, $0xb8;
	[tilespmem:$0x10200] =	vst v63  }
0x59: {  	s22 =	sadd.s32 $0xE00, s29;
	_ =	swait.ge [sflag:s7], $0x10000  }
0x5a: {  	s21 =	sshrl.u32 s22, $0x3;
	[sflag:s7] =	ssyncset.done $0x0  }
0x5b: {  	s21 =	sadd.s32 s28, s21;
	[sflag:s7] =	ssyncadd.s32 $0xFFFF0000  }
0x5c: {  	[tilespmem:s2], [sflag:$0x2] =	stream.linear.gather [hbm4b:s21+s2], $0x200, $0x38;
	[tilespmem:$0x10200] =	vst v63  }
0x5d: {  	_ =	swait.ge [sflag:s4], $0x200  }
0x5e: {  	s22 =	sshll.u32 s22, $0x4;
	[sflag:s4] =	ssyncset.done $0x0  }
0x5f: {  	s22 =	sadd.s32 s31, s22;
	[sflag:s4] =	ssyncadd.s32 $0xFFFFFE00  }
0x60: {  	[tilespmem:s6], [sflag:$0x2] =	stream.linear.gather [hbm4b:s22+s2], $0x10000, $0x38;
	[tilespmem:$0x10200] =	vst v63  }
0x61: {  	_ =	swait.ge [sflag:s4], $0x10000  }
0x62: {  	[sflag:s4] =	ssyncset.done $0x0  }
0x63: {  	[sflag:s4] =	ssyncadd.s32 $0xFFFF0000  }
0x64: {  	[hbm4b:s8+s6] =	stream.indirect.scatter [tilespmem:s6], [sflag:$0x1], $0x80, s2, s6, $0xb8;
	[tilespmem:$0x10200] =	vst v63  }
0x65: {  	s24 =	sadd.s32 $0x1000, s29;
	_ =	swait.ge [sflag:s7], $0x10000  }
0x66: {  	s23 =	sshrl.u32 s24, $0x3;
	[sflag:s7] =	ssyncset.done $0x0  }
0x67: {  	s23 =	sadd.s32 s28, s23;
	[sflag:s7] =	ssyncadd.s32 $0xFFFF0000  }
0x68: {  	[tilespmem:s2], [sflag:$0x2] =	stream.linear.gather [hbm4b:s23+s2], $0x200, $0x38;
	[tilespmem:$0x10200] =	vst v63  }
0x69: {  	_ =	swait.ge [sflag:s4], $0x200  }
0x6a: {  	s24 =	sshll.u32 s24, $0x4;
	[sflag:s4] =	ssyncset.done $0x0  }
0x6b: {  	s24 =	sadd.s32 s31, s24;
	[sflag:s4] =	ssyncadd.s32 $0xFFFFFE00  }
0x6c: {  	[tilespmem:s6], [sflag:$0x2] =	stream.linear.gather [hbm4b:s24+s2], $0x10000, $0x38;
	[tilespmem:$0x10200] =	vst v63  }
0x6d: {  	_ =	swait.ge [sflag:s4], $0x10000  }
0x6e: {  	[sflag:s4] =	ssyncset.done $0x0  }
0x6f: {  	[sflag:s4] =	ssyncadd.s32 $0xFFFF0000  }
0x70: {  	[hbm4b:s8+s6] =	stream.indirect.scatter [tilespmem:s6], [sflag:$0x1], $0x80, s2, s6, $0xb8;
	[tilespmem:$0x10200] =	vst v63  }
0x71: {  	s26 =	sadd.s32 $0x1200, s29;
	_ =	swait.ge [sflag:s7], $0x10000  }
0x72: {  	s25 =	sshrl.u32 s26, $0x3;
	[sflag:s7] =	ssyncset.done $0x0  }
0x73: {  	s25 =	sadd.s32 s28, s25;
	[sflag:s7] =	ssyncadd.s32 $0xFFFF0000  }
0x74: {  	[tilespmem:s2], [sflag:$0x2] =	stream.linear.gather [hbm4b:s25+s2], $0x200, $0x38;
	[tilespmem:$0x10200] =	vst v63  }
0x75: {  	_ =	swait.ge [sflag:s4], $0x200  }
0x76: {  	s26 =	sshll.u32 s26, $0x4;
	[sflag:s4] =	ssyncset.done $0x0  }
0x77: {  	s26 =	sadd.s32 s31, s26;
	[sflag:s4] =	ssyncadd.s32 $0xFFFFFE00  }
0x78: {  	[tilespmem:s6], [sflag:$0x2] =	stream.linear.gather [hbm4b:s26+s2], $0x10000, $0x38;
	[tilespmem:$0x10200] =	vst v63  }
0x79: {  	_ =	swait.ge [sflag:s4], $0x10000  }
0x7a: {  	[sflag:s4] =	ssyncset.done $0x0  }
0x7b: {  	s29 =	sadd.s32 $0x1400, s29;
	[sflag:s4] =	ssyncadd.s32 $0xFFFF0000  }
0x7c: {  	[hbm4b:s8+s6] =	stream.indirect.scatter [tilespmem:s6], [sflag:$0x1], $0x80, s2, s6, $0xb8;
	[tilespmem:$0x10200] =	vst v63  }
0x7d: {  	s1 =	sshrl.u32 s29, $0x3;
	_ =	swait.ge [sflag:s7], $0x10000  }
0x7e: {  	s28 =	sadd.s32 s28, s1;
	s1 =	sshll.u32 s29, $0x4;
	[sflag:s7] =	ssyncset.done $0x0  }
0x7f: {  	s29 =	sadd.s32 s31, s1;
	s31 =	ssub.s32 $0x2, s30;
	[sflag:s7] =	ssyncadd.s32 $0xFFFF0000  }
0x80: {  	[tilespmem:s2], [sflag:$0x2] =	stream.linear.gather [hbm4b:s28+s2], $0x200, $0x38;
	[tilespmem:$0x10200] =	vst v63  }
0x81: {  	s30 =	sshrl.u32 s31, $0x1;
	_ =	swait.ge [sflag:s4], $0x200  }
0x82: {  	s1 =	ssub.s32 s31, s30;
	[sflag:s4] =	ssyncset.done $0x0  }
0x83: {  	s1 =	smax.u32 s1, $0x1;
	[sflag:s4] =	ssyncadd.s32 $0xFFFFFE00  }
0x84: {  	[tilespmem:s6], [sflag:$0x2] =	stream.linear.gather [hbm4b:s29+s2], $0x10000, $0x38;
	[tilespmem:$0x10200] =	vst v63  }
0x85: {  	p0 =	sne.s32 s1, $0x1;
	_ =	swait.ge [sflag:s4], $0x10000  }
.Ltmp0:
0x86: {  	[sflag:s4] =	ssyncset.done $0x0;
	(pc) =	sbr.rel @!p0 .LBB2_2-.Ltmp0, $4  }
0x87: {  	[sflag:s4] =	ssyncadd.s32 $0xFFFF0000  }
0x88: {  	[hbm4b:s8+s6] =	stream.indirect.scatter [tilespmem:s6], [sflag:$0x1], $0x80, s2, s6, $0xb8;
	[tilespmem:$0x10200] =	vst v63  }
0x89: {  	_ =	swait.ge [sflag:s7], $0x10000  }
0x8a: {  	s30 =	sadd.s32 $0xFFFFFFFF, s1;
	[sflag:s7] =	ssyncset.done $0x0  }
.LBB2_1:
0x8b: {  	p0 =	sne.s32 s30, $0x1;
	s30 =	sadd.s32 $0xFFFFFFFF, s30;
	[sflag:s7] =	ssyncadd.s32 $0xFFFF0000  }
0x8c: {  	[tilespmem:s2], [sflag:$0x2] =	stream.linear.gather [hbm4b:s3+s2], $0x200, $0x38;
	[tilespmem:$0x10200] =	vst v63  }
0x8d: {  	_ =	swait.ge [sflag:s4], $0x200  }
0x8e: {  	[sflag:s4] =	ssyncset.done $0x0  }
0x8f: {  	[sflag:s4] =	ssyncadd.s32 $0xFFFFFE00  }
0x90: {  	[tilespmem:s6], [sflag:$0x2] =	stream.linear.gather [hbm4b:s5+s2], $0x10000, $0x38;
	[tilespmem:$0x10200] =	vst v63  }
0x91: {  	_ =	swait.ge [sflag:s4], $0x10000  }
0x92: {  	[sflag:s4] =	ssyncset.done $0x0  }
0x93: {  	[sflag:s4] =	ssyncadd.s32 $0xFFFF0000  }
0x94: {  	[hbm4b:s8+s6] =	stream.indirect.scatter [tilespmem:s6], [sflag:$0x1], $0x80, s2, s6, $0xb8;
	[tilespmem:$0x10200] =	vst v63  }
0x95: {  	_ =	swait.ge [sflag:s7], $0x10000  }
0x96: {  	[sflag:s7] =	ssyncset.done $0x0  }
0x97: {  	[sflag:s7] =	ssyncadd.s32 $0xFFFF0000  }
0x98: {  	[tilespmem:s2], [sflag:$0x2] =	stream.linear.gather [hbm4b:s9+s2], $0x200, $0x38;
	[tilespmem:$0x10200] =	vst v63  }
0x99: {  	_ =	swait.ge [sflag:s4], $0x200  }
0x9a: {  	[sflag:s4] =	ssyncset.done $0x0  }
0x9b: {  	[sflag:s4] =	ssyncadd.s32 $0xFFFFFE00  }
0x9c: {  	[tilespmem:s6], [sflag:$0x2] =	stream.linear.gather [hbm4b:s10+s2], $0x10000, $0x38;
	[tilespmem:$0x10200] =	vst v63  }
0x9d: {  	_ =	swait.ge [sflag:s4], $0x10000  }
0x9e: {  	[sflag:s4] =	ssyncset.done $0x0  }
0x9f: {  	[sflag:s4] =	ssyncadd.s32 $0xFFFF0000  }
0xa0: {  	[hbm4b:s8+s6] =	stream.indirect.scatter [tilespmem:s6], [sflag:$0x1], $0x80, s2, s6, $0xb8;
	[tilespmem:$0x10200] =	vst v63  }
0xa1: {  	_ =	swait.ge [sflag:s7], $0x10000  }
0xa2: {  	[sflag:s7] =	ssyncset.done $0x0  }
0xa3: {  	[sflag:s7] =	ssyncadd.s32 $0xFFFF0000  }
0xa4: {  	[tilespmem:s2], [sflag:$0x2] =	stream.linear.gather [hbm4b:s11+s2], $0x200, $0x38;
	[tilespmem:$0x10200] =	vst v63  }
0xa5: {  	_ =	swait.ge [sflag:s4], $0x200  }
0xa6: {  	[sflag:s4] =	ssyncset.done $0x0  }
0xa7: {  	[sflag:s4] =	ssyncadd.s32 $0xFFFFFE00  }
0xa8: {  	[tilespmem:s6], [sflag:$0x2] =	stream.linear.gather [hbm4b:s12+s2], $0x10000, $0x38;
	[tilespmem:$0x10200] =	vst v63  }
0xa9: {  	_ =	swait.ge [sflag:s4], $0x10000  }
0xaa: {  	[sflag:s4] =	ssyncset.done $0x0  }
0xab: {  	[sflag:s4] =	ssyncadd.s32 $0xFFFF0000  }
0xac: {  	[hbm4b:s8+s6] =	stream.indirect.scatter [tilespmem:s6], [sflag:$0x1], $0x80, s2, s6, $0xb8;
	[tilespmem:$0x10200] =	vst v63  }
0xad: {  	_ =	swait.ge [sflag:s7], $0x10000  }
0xae: {  	[sflag:s7] =	ssyncset.done $0x0  }
0xaf: {  	[sflag:s7] =	ssyncadd.s32 $0xFFFF0000  }
0xb0: {  	[tilespmem:s2], [sflag:$0x2] =	stream.linear.gather [hbm4b:s13+s2], $0x200, $0x38;
	[tilespmem:$0x10200] =	vst v63  }
0xb1: {  	_ =	swait.ge [sflag:s4], $0x200  }
0xb2: {  	[sflag:s4] =	ssyncset.done $0x0  }
0xb3: {  	[sflag:s4] =	ssyncadd.s32 $0xFFFFFE00  }
0xb4: {  	[tilespmem:s6], [sflag:$0x2] =	stream.linear.gather [hbm4b:s14+s2], $0x10000, $0x38;
	[tilespmem:$0x10200] =	vst v63  }
0xb5: {  	_ =	swait.ge [sflag:s4], $0x10000  }
0xb6: {  	[sflag:s4] =	ssyncset.done $0x0  }
0xb7: {  	[sflag:s4] =	ssyncadd.s32 $0xFFFF0000  }
0xb8: {  	[hbm4b:s8+s6] =	stream.indirect.scatter [tilespmem:s6], [sflag:$0x1], $0x80, s2, s6, $0xb8;
	[tilespmem:$0x10200] =	vst v63  }
0xb9: {  	_ =	swait.ge [sflag:s7], $0x10000  }
0xba: {  	[sflag:s7] =	ssyncset.done $0x0  }
0xbb: {  	[sflag:s7] =	ssyncadd.s32 $0xFFFF0000  }
0xbc: {  	[tilespmem:s2], [sflag:$0x2] =	stream.linear.gather [hbm4b:s15+s2], $0x200, $0x38;
	[tilespmem:$0x10200] =	vst v63  }
0xbd: {  	_ =	swait.ge [sflag:s4], $0x200  }
0xbe: {  	[sflag:s4] =	ssyncset.done $0x0  }
0xbf: {  	[sflag:s4] =	ssyncadd.s32 $0xFFFFFE00  }
0xc0: {  	[tilespmem:s6], [sflag:$0x2] =	stream.linear.gather [hbm4b:s16+s2], $0x10000, $0x38;
	[tilespmem:$0x10200] =	vst v63  }
0xc1: {  	_ =	swait.ge [sflag:s4], $0x10000  }
0xc2: {  	[sflag:s4] =	ssyncset.done $0x0  }
0xc3: {  	[sflag:s4] =	ssyncadd.s32 $0xFFFF0000  }
0xc4: {  	[hbm4b:s8+s6] =	stream.indirect.scatter [tilespmem:s6], [sflag:$0x1], $0x80, s2, s6, $0xb8;
	[tilespmem:$0x10200] =	vst v63  }
0xc5: {  	_ =	swait.ge [sflag:s7], $0x10000  }
0xc6: {  	[sflag:s7] =	ssyncset.done $0x0  }
0xc7: {  	[sflag:s7] =	ssyncadd.s32 $0xFFFF0000  }
0xc8: {  	[tilespmem:s2], [sflag:$0x2] =	stream.linear.gather [hbm4b:s17+s2], $0x200, $0x38;
	[tilespmem:$0x10200] =	vst v63  }
0xc9: {  	_ =	swait.ge [sflag:s4], $0x200  }
0xca: {  	[sflag:s4] =	ssyncset.done $0x0  }
0xcb: {  	[sflag:s4] =	ssyncadd.s32 $0xFFFFFE00  }
0xcc: {  	[tilespmem:s6], [sflag:$0x2] =	stream.linear.gather [hbm4b:s18+s2], $0x10000, $0x38;
	[tilespmem:$0x10200] =	vst v63  }
0xcd: {  	_ =	swait.ge [sflag:s4], $0x10000  }
0xce: {  	[sflag:s4] =	ssyncset.done $0x0  }
0xcf: {  	[sflag:s4] =	ssyncadd.s32 $0xFFFF0000  }
0xd0: {  	[hbm4b:s8+s6] =	stream.indirect.scatter [tilespmem:s6], [sflag:$0x1], $0x80, s2, s6, $0xb8;
	[tilespmem:$0x10200] =	vst v63  }
0xd1: {  	_ =	swait.ge [sflag:s7], $0x10000  }
0xd2: {  	[sflag:s7] =	ssyncset.done $0x0  }
0xd3: {  	[sflag:s7] =	ssyncadd.s32 $0xFFFF0000  }
0xd4: {  	[tilespmem:s2], [sflag:$0x2] =	stream.linear.gather [hbm4b:s19+s2], $0x200, $0x38;
	[tilespmem:$0x10200] =	vst v63  }
0xd5: {  	_ =	swait.ge [sflag:s4], $0x200  }
0xd6: {  	[sflag:s4] =	ssyncset.done $0x0  }
0xd7: {  	[sflag:s4] =	ssyncadd.s32 $0xFFFFFE00  }
0xd8: {  	[tilespmem:s6], [sflag:$0x2] =	stream.linear.gather [hbm4b:s20+s2], $0x10000, $0x38;
	[tilespmem:$0x10200] =	vst v63  }
0xd9: {  	_ =	swait.ge [sflag:s4], $0x10000  }
0xda: {  	[sflag:s4] =	ssyncset.done $0x0  }
0xdb: {  	[sflag:s4] =	ssyncadd.s32 $0xFFFF0000  }
0xdc: {  	[hbm4b:s8+s6] =	stream.indirect.scatter [tilespmem:s6], [sflag:$0x1], $0x80, s2, s6, $0xb8;
	[tilespmem:$0x10200] =	vst v63  }
0xdd: {  	_ =	swait.ge [sflag:s7], $0x10000  }
0xde: {  	[sflag:s7] =	ssyncset.done $0x0  }
0xdf: {  	[sflag:s7] =	ssyncadd.s32 $0xFFFF0000  }
0xe0: {  	[tilespmem:s2], [sflag:$0x2] =	stream.linear.gather [hbm4b:s21+s2], $0x200, $0x38;
	[tilespmem:$0x10200] =	vst v63  }
0xe1: {  	_ =	swait.ge [sflag:s4], $0x200  }
0xe2: {  	[sflag:s4] =	ssyncset.done $0x0  }
0xe3: {  	[sflag:s4] =	ssyncadd.s32 $0xFFFFFE00  }
0xe4: {  	[tilespmem:s6], [sflag:$0x2] =	stream.linear.gather [hbm4b:s22+s2], $0x10000, $0x38;
	[tilespmem:$0x10200] =	vst v63  }
0xe5: {  	_ =	swait.ge [sflag:s4], $0x10000  }
0xe6: {  	[sflag:s4] =	ssyncset.done $0x0  }
0xe7: {  	[sflag:s4] =	ssyncadd.s32 $0xFFFF0000  }
0xe8: {  	[hbm4b:s8+s6] =	stream.indirect.scatter [tilespmem:s6], [sflag:$0x1], $0x80, s2, s6, $0xb8;
	[tilespmem:$0x10200] =	vst v63  }
0xe9: {  	_ =	swait.ge [sflag:s7], $0x10000  }
0xea: {  	[sflag:s7] =	ssyncset.done $0x0  }
0xeb: {  	[sflag:s7] =	ssyncadd.s32 $0xFFFF0000  }
0xec: {  	[tilespmem:s2], [sflag:$0x2] =	stream.linear.gather [hbm4b:s23+s2], $0x200, $0x38;
	[tilespmem:$0x10200] =	vst v63  }
0xed: {  	_ =	swait.ge [sflag:s4], $0x200  }
0xee: {  	[sflag:s4] =	ssyncset.done $0x0  }
0xef: {  	[sflag:s4] =	ssyncadd.s32 $0xFFFFFE00  }
0xf0: {  	[tilespmem:s6], [sflag:$0x2] =	stream.linear.gather [hbm4b:s24+s2], $0x10000, $0x38;
	[tilespmem:$0x10200] =	vst v63  }
0xf1: {  	_ =	swait.ge [sflag:s4], $0x10000  }
0xf2: {  	[sflag:s4] =	ssyncset.done $0x0  }
0xf3: {  	[sflag:s4] =	ssyncadd.s32 $0xFFFF0000  }
0xf4: {  	[hbm4b:s8+s6] =	stream.indirect.scatter [tilespmem:s6], [sflag:$0x1], $0x80, s2, s6, $0xb8;
	[tilespmem:$0x10200] =	vst v63  }
0xf5: {  	_ =	swait.ge [sflag:s7], $0x10000  }
0xf6: {  	[sflag:s7] =	ssyncset.done $0x0  }
0xf7: {  	[sflag:s7] =	ssyncadd.s32 $0xFFFF0000  }
0xf8: {  	[tilespmem:s2], [sflag:$0x2] =	stream.linear.gather [hbm4b:s25+s2], $0x200, $0x38;
	[tilespmem:$0x10200] =	vst v63  }
0xf9: {  	_ =	swait.ge [sflag:s4], $0x200  }
0xfa: {  	[sflag:s4] =	ssyncset.done $0x0  }
0xfb: {  	[sflag:s4] =	ssyncadd.s32 $0xFFFFFE00  }
0xfc: {  	[tilespmem:s6], [sflag:$0x2] =	stream.linear.gather [hbm4b:s26+s2], $0x10000, $0x38;
	[tilespmem:$0x10200] =	vst v63  }
0xfd: {  	_ =	swait.ge [sflag:s4], $0x10000  }
0xfe: {  	[sflag:s4] =	ssyncset.done $0x0  }
0xff: {  	[sflag:s4] =	ssyncadd.s32 $0xFFFF0000  }
0x100: {  	[hbm4b:s8+s6] =	stream.indirect.scatter [tilespmem:s6], [sflag:$0x1], $0x80, s2, s6, $0xb8;
	[tilespmem:$0x10200] =	vst v63  }
0x101: {  	_ =	swait.ge [sflag:s7], $0x10000  }
0x102: {  	[sflag:s7] =	ssyncset.done $0x0  }
0x103: {  	[sflag:s7] =	ssyncadd.s32 $0xFFFF0000  }
0x104: {  	[tilespmem:s2], [sflag:$0x2] =	stream.linear.gather [hbm4b:s28+s2], $0x200, $0x38;
	[tilespmem:$0x10200] =	vst v63  }
0x105: {  	_ =	swait.ge [sflag:s4], $0x200  }
0x106: {  	[sflag:s4] =	ssyncset.done $0x0  }
0x107: {  	[sflag:s4] =	ssyncadd.s32 $0xFFFFFE00  }
0x108: {  	[tilespmem:s6], [sflag:$0x2] =	stream.linear.gather [hbm4b:s29+s2], $0x10000, $0x38;
	[tilespmem:$0x10200] =	vst v63  }
0x109: {  	_ =	swait.ge [sflag:s4], $0x10000  }
.Ltmp1:
0x10a: {  	[sflag:s4] =	ssyncset.done $0x0;
	(pc) =	sbr.rel @p0 .LBB2_1-.Ltmp1, $4  }
0x10b: {  	[sflag:s4] =	ssyncadd.s32 $0xFFFF0000  }
0x10c: {  	[hbm4b:s8+s6] =	stream.indirect.scatter [tilespmem:s6], [sflag:$0x1], $0x80, s2, s6, $0xb8;
	[tilespmem:$0x10200] =	vst v63  }
0x10d: {  	_ =	swait.ge [sflag:s7], $0x10000  }
0x10e: {  	[sflag:s7] =	ssyncset.done $0x0  }
.LBB2_2:
0x10f: {  	[sflag:s7] =	ssyncadd.s32 $0xFFFF0000  }
0x110: {  	_ =	sfence.sel $0x180000  }
0x111: {  	[bflag:$0x0] =	sbarrier.arrive $0xFFFF  }
0x112: {  	_ =	strace $0x9000004A  }
0x113: {  	[bflag:$0x2] =	sbarrier.arrive $0xFFFF  }
0x114: {  	p0 =	sne.s32 s0, $0x0;
	s0 =	rddreg [dreg:$0x1]  }
0x115: {  	s0 =	sadd.s32 @!p0 $0x100000, s0  }
0x116: {  	[sflag:s0] =	ssyncadd.tile.s32 @!p0 $0x1;
	_ =	shalt  }
.Lfunc_end2:
_tile_overlayer_lowered:
.L_overlay_start_2:
0x117: {  	(tag) =	ssettag $0x2  }
0x118: {  	s0 =	rddreg [dreg:$0x0];
	s2 =	stileid.u32  }
0x119: {  	s1 =	rddreg [dreg:$0x1];
	p0 =	sne.s32 s2, $0x0  }
0x11a: {  	s3 =	rddreg [dreg:$0x2];
	[bflag:$0x3] =	sbarrier.arrive $0xFFFF;
	s2 =	simm.s32 @!p0 $0x1C02  }
0x11b: {  	[timem:s3], [sflag:s2] =	dma.local @!p0 [hbm:s0], s1  }
0x11c: {  	s0 =	simm.s32 @!p0 $0x2  }
0x11d: {  	_ =	swait.ge @!p0 [sflag:s0], s1  }
0x11e: {  	s1 =	ssub.s32 @!p0 $0x0, s1;
	[sflag:s0] =	ssyncset.done @!p0 $0x0  }
0x11f: {  	[sflag:s0] =	ssyncadd.s32 @!p0 s1  }
0x120: {  	[bflag:$0x3] =	sbarrier.arrive $0xFFFF  }
0x121: {  	_ =	shalt  }

// kernel: kernel.8.cloned.1.call-start
scs
__scs_entry_jumppad:
0x0: {  	(pc) =	sbr.rel $0x88, $3  }
0x1: {  	(tag) =	ssettag $0x0;
	lr =	simm.s32 $0x1  }
0x2: {  	[smem:$0x3F93] =	sst lr;
	_ =	strace $0xD0000000  }
0x3: {  	_ = 	snop  }
0x4: {  	_ = 	snop  }
0x5: {  	_ = 	snop  }
0x6: {  	_ = 	snop  }
0x7: {  	_ = 	snop  }
__scs_overlays_trampoline_lowered:
0x8: {  	[smem:$0x3FA2] =	sst s0  }
0x9: {  	[smem:$0x3FA3] =	sst s1  }
0xa: {  	[smem:$0x3FA4] =	sst s2  }
0xb: {  	[smem:$0x3FA5] =	sst s3  }
0xc: {  	[smem:$0x3FA6] =	sst s4  }
0xd: {  	[smem:$0x3FA7] =	sst s5  }
0xe: {  	[smem:$0x3FA8] =	sst s6  }
0xf: {  	[smem:$0x3FA9] =	sst s7  }
0x10: {  	[smem:$0x3FAA] =	sst s8  }
0x11: {  	[smem:$0x3FAB] =	sst s9;
	s0 =	simm.s32 @!p0 $0x0  }
0x12: {  	s1 =	sld [smem:$0x3F91];
	s0 =	simm.s32 @p0 $0x1  }
0x13: {  	[smem:$0x3FAC] =	sst s0;
	s0 =	simm.s32 @!p1 $0x0  }
0x14: {  	s2 =	sld [smem:$0x3F90];
	s0 =	simm.s32 @p1 $0x1  }
0x15: {  	[smem:$0x3FAD] =	sst s0;
	s0 =	simm.s32 @!p2 $0x0  }
0x16: {  	s3 =	sld [smem:$0x3FDB];
	s0 =	simm.s32 @p2 $0x1  }
0x17: {  	s4 =	simm.s32 $0x1BF5;
	[smem:$0x3FAF] =	sst s0  }
0x18: {  	s0 =	sld [smem:$0x3F92];
	_ =	swait.ge [sflag:s4], $0x0  }
0x19: {  	s7 =	sld [smem:$0x3F93]  }
0x1a: {  	s8 =	sadd.s32 $0xFFFFE003, lr  }
0x1b: {  	s9 =	sadd.s32 $0xFFFFFEF7, lr;
	s5 =	simm.s32 $0xFFFFFFFF;
	p2 =	slt.u32 s8, $0xFFFFF086  }
0x1c: {  	p1 =	slt.u32 s9, $0xF7A;
	s5 =	simm.s32 @!p2 $0x0  }
0x1d: {  	s5 =	simm.s32 @p1 $0x1;
	p0 =	seq.s32 s7, s2  }
0x1e: {  	s7 =	smul.u32 @!p0 $0xF7A, s2;
	p2 =	seq.s32 @!p0 s5, $0x0  }
0x1f: {  	s9 =	smul.u32 $0xF7A, s1;
	s8 =	simm.s32 @!p0 $0x1BF5;
	p2 =	por !p2, p0  }
0x20: {  	[sflag:s8] =	ssyncset.s32 @!p0 $0xFFFFF086;
	s6 =	sadd.s32 @!p0 s3, s7;
	s7 =	simm.s32 @!p0 $0x108  }
0x21: {  	s3 =	sadd.s32 s3, s9;
	s6 =	sadd.s32 @!p0 $0x88, s6;
	s7 =	simm.s32 @p2 $0x1082  }
0x22: {  	[simem:s7], [sflag:s8] =	dma.local @!p0 [hbm:s6], $0xF7A  }
0x23: {  	s9 =	sor.u32 $0xD0000000, s2;
	s6 =	simm.s32 $0x108;
	_ =	swait.ge @!p0 [sflag:s8], $0x0  }
0x24: {  	s3 =	sadd.s32 $0x88, s3;
	s6 =	simm.s32 @!p1 $0x1082;
	[sflag:s4] =	ssyncset.s32 $0xFFFFF086  }
0x25: {  	[simem:s6], [sflag:s4] =	dma.local [hbm:s3], $0xF7A  }
0x26: {  	[smem:$0x3F93] =	sst s1;
	(tag) =	ssettag s2;
	_ =	strace s9  }
0x27: {  	s1 =	sld [smem:$0x3FA3]  }
0x28: {  	s2 =	sld [smem:$0x3FA4]  }
0x29: {  	s4 =	sld [smem:$0x3FA6]  }
0x2a: {  	p0 =	seq.s32 s5, $0x0;
	s5 =	sld [smem:$0x3FA7]  }
0x2b: {  	s6 =	sld [smem:$0x3FA8]  }
0x2c: {  	s7 =	sld [smem:$0x3FA9]  }
0x2d: {  	s3 =	simm.s32 $0x108;
	s8 =	sld [smem:$0x3FAA]  }
0x2e: {  	s3 =	simm.s32 @!p0 $0x1082;
	s9 =	sld [smem:$0x3FAB]  }
0x2f: {  	lr =	sadd.s32 s0, s3;
	s0 =	sld [smem:$0x3FA2]  }
0x30: {  	s3 =	sld [smem:$0x3FA5]  }
0x31: {  	[smem:$0x3FAE] =	sst s10  }
0x32: {  	s10 =	sld [smem:$0x3FAC];
	_ =	sdelay $0x3  }
0x33: {  	p0 =	seq.s32 s10, $0x1;
	s10 =	sld [smem:$0x3FAE];
	_ =	sdelay $0x3  }
0x34: {  	[smem:$0x3FAE] =	sst s10  }
0x35: {  	s10 =	sld [smem:$0x3FAD];
	_ =	sdelay $0x3  }
0x36: {  	p1 =	seq.s32 s10, $0x1;
	s10 =	sld [smem:$0x3FAE];
	_ =	sdelay $0x3  }
0x37: {  	[smem:$0x3FAE] =	sst s10  }
0x38: {  	s10 =	sld [smem:$0x3FAF]  }
0x39: {  	_ = 	snop;
	(pc) =	sbr.ind lr, $3  }
0x3a: {  	_ = 	snop  }
0x3b: {  	_ = 	snop  }
0x3c: {  	p2 =	seq.s32 s10, $0x1;
	s10 =	sld [smem:$0x3FAE]  }
0x3d: {  	_ =	shalt  }
0x3e: {  	_ =	shalt  }
0x3f: {  	_ =	shalt  }
0x40: {  	_ =	shalt  }
0x41: {  	_ =	shalt  }
0x42: {  	_ =	shalt  }
0x43: {  	_ =	shalt  }
0x44: {  	_ =	shalt  }
0x45: {  	_ =	shalt  }
0x46: {  	_ =	shalt  }
0x47: {  	_ =	shalt  }
0x48: {  	_ =	shalt  }
0x49: {  	_ =	shalt  }
0x4a: {  	_ =	shalt  }
0x4b: {  	_ =	shalt  }
0x4c: {  	_ =	shalt  }
0x4d: {  	_ =	shalt  }
0x4e: {  	_ =	shalt  }
0x4f: {  	_ =	shalt  }
0x50: {  	_ =	shalt  }
0x51: {  	_ =	shalt  }
0x52: {  	_ =	shalt  }
0x53: {  	_ =	shalt  }
0x54: {  	_ =	shalt  }
0x55: {  	_ =	shalt  }
0x56: {  	_ =	shalt  }
0x57: {  	_ =	shalt  }
0x58: {  	_ =	shalt  }
0x59: {  	_ =	shalt  }
0x5a: {  	_ =	shalt  }
0x5b: {  	_ =	shalt  }
0x5c: {  	_ =	shalt  }
0x5d: {  	_ =	shalt  }
0x5e: {  	_ =	shalt  }
0x5f: {  	_ =	shalt  }
0x60: {  	_ =	shalt  }
0x61: {  	_ =	shalt  }
0x62: {  	_ =	shalt  }
0x63: {  	_ =	shalt  }
0x64: {  	_ =	shalt  }
0x65: {  	_ =	shalt  }
0x66: {  	_ =	shalt  }
0x67: {  	_ =	shalt  }
0x68: {  	_ =	shalt  }
0x69: {  	_ =	shalt  }
0x6a: {  	_ =	shalt  }
0x6b: {  	_ =	shalt  }
0x6c: {  	_ =	shalt  }
0x6d: {  	_ =	shalt  }
0x6e: {  	_ =	shalt  }
0x6f: {  	_ =	shalt  }
0x70: {  	_ =	shalt  }
0x71: {  	_ =	shalt  }
0x72: {  	_ =	shalt  }
0x73: {  	_ =	shalt  }
0x74: {  	_ =	shalt  }
0x75: {  	_ =	shalt  }
0x76: {  	_ =	shalt  }
0x77: {  	_ =	shalt  }
0x78: {  	_ =	shalt  }
0x79: {  	_ =	shalt  }
0x7a: {  	_ =	shalt  }
0x7b: {  	_ =	shalt  }
0x7c: {  	_ =	shalt  }
0x7d: {  	_ =	shalt  }
0x7e: {  	_ =	shalt  }
0x7f: {  	_ =	shalt  }
0x80: {  	_ =	shalt  }
0x81: {  	_ =	shalt  }
0x82: {  	_ =	shalt  }
0x83: {  	_ =	shalt  }
0x84: {  	_ =	shalt  }
0x85: {  	_ =	shalt  }
0x86: {  	_ =	shalt  }
0x87: {  	_ =	shalt  }
.Lfunc_end0:
.L_simem_size_0:
called_computation_lowered:
.L_overlay_start_0:
0x88: {  	s2 =	sld [smem:$0x3FD9]  }
0x89: {  	s3 =	sld [smem:$0x3FFE];
	_ =	sdelay $0x1  }
0x8a: {  	s1 =	srdreg.scid  }
0x8b: {  	s0 =	sand.u32 $0x1, s1  }
0x8c: {  	s17 =	sshll.u32 s0, $0xA;
	s2 =	sadd.s32 s3, s2  }
0x8d: {  	s2 =	sadd.s32 s2, s17  }
0x8e: {  	[smem:$0x3FBA] =	sst s2  }
0x8f: {  	_ = 	snop  }
0x90: {  	s2 =	sld [smem:$0x3FD0];
	(tm) =	ssettm $0x1  }
0x91: {  	s18 =	sld [smem:$0x3FFB];
	_ =	sdelay $0x3  }
0x92: {  	_ =	strace s18  }
0x93: {  	s3 =	sld [smem:$0x3FFC];
	_ =	sdelay $0x3  }
0x94: {  	_ =	strace s3  }
0x95: {  	s3 =	sld [smem:$0x3FFD];
	_ =	sdelay $0x3  }
0x96: {  	_ =	strace s3  }
0x97: {  	_ =	strace $0x8FFFFFFF  }
0x98: {  	s19 =	sld [smem:$0x3FDB];
	_ =	sdelay $0x1  }
0x99: {  	s4 =	simm.s32 $_scs_section_size  }
0x9a: {  	s5 =	simm.s32 $_size__tile_overlayer_lowered;
	s6 =	simm.s32 $_tile_overlayer_lowered  }
0x9b: {  	s22 =	simm.s32 $0x1BFF;
	s21 =	sshll.u32 s6, $0x1;
	s3 =	sadd.s32 s4, s19  }
0x9c: {  	s7 =	simm.s32 $0x0;
	s20 =	sshll.u32 s5, $0x1;
	s5 =	sadd.s32 s21, s3  }
0x9d: {  	[timem:s7], [sflag:s22] =	dma.local [hbm:s5], s20  }
0x9e: {  	_ =	swait.ge [sflag:s22], s20  }
0x9f: {  	s4 =	ssub.s32 $0x0, s20;
	[sflag:s22] =	ssyncset.done $0x0  }
0xa0: {  	[sflag:s22] =	ssyncadd.s32 s4;
	_ =	sdelay $0x1  }
0xa1: {  	s23 =	simm.s32 $0x1B8B  }
0xa2: {  	_ =	swait.ge [sflag:s23], $0x1  }
0xa3: {  	[sflag:s23] =	ssyncset.done $0x0  }
0xa4: {  	s25 =	simm.s32 $0x1B8E;
	s24 =	sld [smem:$0x3FFE];
	[sflag:s23] =	ssyncadd.s32 $0xFFFFFFFF  }
0xa5: {  	s26 =	simm.s32 $execute0_lowered;
	[smem:$0x3FD2] =	sst s25  }
0xa6: {  	s5 =	sshll.u32 s26, $0x1;
	_ =	strace $0x80000046;
	[dreg:$0x1] =	wrdreg $0xFFFFFFFF  }
0xa7: {  	s28 =	simm.s32 $_size_execute0_lowered;
	s3 =	sadd.s32 s3, s5;
	[dreg:$0x0] =	wrdreg $0x0  }
0xa8: {  	s5 =	sshll.u32 s28, $0x1;
	[dreg:$0x2] =	wrdreg s3  }
0xa9: {  	[dreg:$0x3] =	wrdreg s5  }
0xaa: {  	[dreg:$0x4] =	wrdreg $0xC0  }
0xab: {  	_ =	task [dreg:s7], $0x5FFFF  }
0xac: {  	[dreg:$0x1] =	wrdreg $0xFFFFFFFF  }
0xad: {  	[dreg:$0x0] =	wrdreg $0x60  }
0xae: {  	[dreg:$0x2] =	wrdreg s24  }
0xaf: {  	[dreg:$0x3] =	wrdreg s2  }
0xb0: {  	[dreg:$0x4] =	wrdreg $0x9  }
0xb1: {  	_ =	task.clear_ibuf [dreg:s7], $0x5FFFF;
	_ =	strace $0x90000046  }
0xb2: {  	s29 =	simm.s32 $0x9;
	_ =	strace $0x80000048  }
0xb3: {  	_ =	swait.ge [sflag:s29], $0x1  }
0xb4: {  	[sflag:s29] =	ssyncadd.s32 $0xFFFFFFFF  }
0xb5: {  	_ =	strace $0x90000048  }
0xb6: {  	_ =	sfence  }
0xb7: {  	s30 =	sld [smem:$0x0];
	_ =	sdelay $0x2  }
0xb8: {  	s31 =	sshll.u32 s1, $0xD;
	s1 =	sshrl.u32 s1, $0x2  }
0xb9: {  	s3 =	sand.u32 $0x4000, s31;
	s1 =	sadd.s32 s1, s30  }
0xba: {  	s0 =	sor.u32 s3, s0;
	s1 =	sshll.u32 s1, $0x11  }
0xbb: {  	s0 =	sor.u32 s1, s0  }
0xbc: {  	s0 =	sadd.s32 $0x8F2B, s0  }
0xbd: {  	[sflag:s0] =	ssyncadd.remote.s32 $0x1  }
0xbe: {  	_ =	sfence.sel $0xFFFF  }
0xbf: {  	[dreg:$0x0] =	wrdreg $0xFFFFFFFF;
	(pc) =	sbr.abs _section_cstart, $3  }
0xc0: {  	[dreg:$0x1] =	wrdreg $0xFFFFFFFF  }
0xc1: {  	_ =	task.clear_ibuf [dreg:s7], $0x2FFFF;
	_ =	strace $0x9FFFFFFF  }
0xc2: {  	(tm) =	ssettm $0x7FFFFFFF  }
0xc3: {  	_ =	shalt  }
tec
execute0_lowered:
.L_overlay_start_1:
0x0: {  	(tag) =	ssettag $0x1  }
0x1: {  	s1 =	srdreg.scid;
	s0 =	stileid.u32  }
0x2: {  	s29 =	sand.u32 $0x1, s1;
	s25 =	sshll.u32 s0, $0x1  }
0x3: {  	s9 =	sor.u32 s29, s25  }
0x4: {  	s8 =	rddreg [dreg:$0x0];
	s30 =	smul.u32 $0x1600, s9  }
0x5: {  	s28 =	rddreg [dreg:$0x1];
	s2 =	simm.s32 $0x0  }
0x6: {  	[smem:$0x7FF] =	sst s2;
	s3 =	sshrl.u32 s30, $0x3  }
0x7: {  	_ =	strace $0x80000047;
	s4 =	sadd.s32 s28, s3;
	s3 =	simm.s32 $0x2  }
0x8: {  	[tilespmem:s2], [sflag:$0x2] =	stream.linear.gather [hbm4b:s4+s2], $0x200, $0x38;
	[tilespmem:$0x10200] =	vst v63  }
0x9: {  	_ =	swait.ge [sflag:s3], $0x200  }
0xa: {  	s6 =	simm.s32 $0x200;
	[sflag:s3] =	ssyncset.done $0x0  }
0xb: {  	s7 =	simm.s32 $0x1;
	s5 =	sadd.s32 $0x168A00, s8;
	[sflag:s3] =	ssyncadd.s32 $0xFFFFFE00  }
0xc: {  	[tilespmem:s6], [sflag:$0x1] =	stream.indirect.gather [hbm4b:s5+s6], $0x80, s2, s6, $0xb8;
	[tilespmem:$0x10200] =	vst v63  }
0xd: {  	s9 =	smul.u32 $0x16000, s9;
	_ =	swait.ge [sflag:s7], $0x10000  }
0xe: {  	s31 =	sadd.s32 $0x427C00, s8;
	[sflag:s7] =	ssyncset.done $0x0  }
0xf: {  	s8 =	sadd.s32 s31, s9;
	[sflag:s7] =	ssyncadd.s32 $0xFFFF0000  }
0x10: {  	[hbm4b:s8+s2] =	stream.linear.scatter [tilespmem:s6], [sflag:$0x2], $0x10000, $0x38;
	[tilespmem:$0x10200] =	vst v63  }
0x11: {  	s10 =	sadd.s32 $0x200, s30;
	_ =	swait.ge [sflag:s3], $0x10000  }
0x12: {  	s26 =	sshrl.u32 s10, $0x3;
	[sflag:s3] =	ssyncset.done $0x0  }
0x13: {  	s9 =	sadd.s32 s28, s26;
	[sflag:s3] =	ssyncadd.s32 $0xFFFF0000  }
0x14: {  	[tilespmem:s2], [sflag:$0x2] =	stream.linear.gather [hbm4b:s9+s2], $0x200, $0x38;
	[tilespmem:$0x10200] =	vst v63  }
0x15: {  	_ =	swait.ge [sflag:s3], $0x200  }
0x16: {  	[sflag:s3] =	ssyncset.done $0x0  }
0x17: {  	[sflag:s3] =	ssyncadd.s32 $0xFFFFFE00  }
0x18: {  	[tilespmem:s6], [sflag:$0x1] =	stream.indirect.gather [hbm4b:s5+s6], $0x80, s2, s6, $0xb8;
	[tilespmem:$0x10200] =	vst v63  }
0x19: {  	_ =	swait.ge [sflag:s7], $0x10000  }
0x1a: {  	s10 =	sshll.u32 s10, $0x4;
	[sflag:s7] =	ssyncset.done $0x0  }
0x1b: {  	s10 =	sadd.s32 s31, s10;
	[sflag:s7] =	ssyncadd.s32 $0xFFFF0000  }
0x1c: {  	[hbm4b:s10+s2] =	stream.linear.scatter [tilespmem:s6], [sflag:$0x2], $0x10000, $0x38;
	[tilespmem:$0x10200] =	vst v63  }
0x1d: {  	s12 =	sadd.s32 $0x400, s30;
	_ =	swait.ge [sflag:s3], $0x10000  }
0x1e: {  	s11 =	sshrl.u32 s12, $0x3;
	[sflag:s3] =	ssyncset.done $0x0  }
0x1f: {  	s11 =	sadd.s32 s28, s11;
	[sflag:s3] =	ssyncadd.s32 $0xFFFF0000  }
0x20: {  	[tilespmem:s2], [sflag:$0x2] =	stream.linear.gather [hbm4b:s11+s2], $0x200, $0x38;
	[tilespmem:$0x10200] =	vst v63  }
0x21: {  	_ =	swait.ge [sflag:s3], $0x200  }
0x22: {  	[sflag:s3] =	ssyncset.done $0x0  }
0x23: {  	[sflag:s3] =	ssyncadd.s32 $0xFFFFFE00  }
0x24: {  	[tilespmem:s6], [sflag:$0x1] =	stream.indirect.gather [hbm4b:s5+s6], $0x80, s2, s6, $0xb8;
	[tilespmem:$0x10200] =	vst v63  }
0x25: {  	_ =	swait.ge [sflag:s7], $0x10000  }
0x26: {  	s12 =	sshll.u32 s12, $0x4;
	[sflag:s7] =	ssyncset.done $0x0  }
0x27: {  	s12 =	sadd.s32 s31, s12;
	[sflag:s7] =	ssyncadd.s32 $0xFFFF0000  }
0x28: {  	[hbm4b:s12+s2] =	stream.linear.scatter [tilespmem:s6], [sflag:$0x2], $0x10000, $0x38;
	[tilespmem:$0x10200] =	vst v63  }
0x29: {  	s14 =	sadd.s32 $0x600, s30;
	_ =	swait.ge [sflag:s3], $0x10000  }
0x2a: {  	s13 =	sshrl.u32 s14, $0x3;
	[sflag:s3] =	ssyncset.done $0x0  }
0x2b: {  	s13 =	sadd.s32 s28, s13;
	[sflag:s3] =	ssyncadd.s32 $0xFFFF0000  }
0x2c: {  	[tilespmem:s2], [sflag:$0x2] =	stream.linear.gather [hbm4b:s13+s2], $0x200, $0x38;
	[tilespmem:$0x10200] =	vst v63  }
0x2d: {  	_ =	swait.ge [sflag:s3], $0x200  }
0x2e: {  	[sflag:s3] =	ssyncset.done $0x0  }
0x2f: {  	[sflag:s3] =	ssyncadd.s32 $0xFFFFFE00  }
0x30: {  	[tilespmem:s6], [sflag:$0x1] =	stream.indirect.gather [hbm4b:s5+s6], $0x80, s2, s6, $0xb8;
	[tilespmem:$0x10200] =	vst v63  }
0x31: {  	_ =	swait.ge [sflag:s7], $0x10000  }
0x32: {  	s14 =	sshll.u32 s14, $0x4;
	[sflag:s7] =	ssyncset.done $0x0  }
0x33: {  	s14 =	sadd.s32 s31, s14;
	[sflag:s7] =	ssyncadd.s32 $0xFFFF0000  }
0x34: {  	[hbm4b:s14+s2] =	stream.linear.scatter [tilespmem:s6], [sflag:$0x2], $0x10000, $0x38;
	[tilespmem:$0x10200] =	vst v63  }
0x35: {  	s16 =	sadd.s32 $0x800, s30;
	_ =	swait.ge [sflag:s3], $0x10000  }
0x36: {  	s15 =	sshrl.u32 s16, $0x3;
	[sflag:s3] =	ssyncset.done $0x0  }
0x37: {  	s15 =	sadd.s32 s28, s15;
	[sflag:s3] =	ssyncadd.s32 $0xFFFF0000  }
0x38: {  	[tilespmem:s2], [sflag:$0x2] =	stream.linear.gather [hbm4b:s15+s2], $0x200, $0x38;
	[tilespmem:$0x10200] =	vst v63  }
0x39: {  	_ =	swait.ge [sflag:s3], $0x200  }
0x3a: {  	[sflag:s3] =	ssyncset.done $0x0  }
0x3b: {  	[sflag:s3] =	ssyncadd.s32 $0xFFFFFE00  }
0x3c: {  	[tilespmem:s6], [sflag:$0x1] =	stream.indirect.gather [hbm4b:s5+s6], $0x80, s2, s6, $0xb8;
	[tilespmem:$0x10200] =	vst v63  }
0x3d: {  	_ =	swait.ge [sflag:s7], $0x10000  }
0x3e: {  	s16 =	sshll.u32 s16, $0x4;
	[sflag:s7] =	ssyncset.done $0x0  }
0x3f: {  	s16 =	sadd.s32 s31, s16;
	[sflag:s7] =	ssyncadd.s32 $0xFFFF0000  }
0x40: {  	[hbm4b:s16+s2] =	stream.linear.scatter [tilespmem:s6], [sflag:$0x2], $0x10000, $0x38;
	[tilespmem:$0x10200] =	vst v63  }
0x41: {  	s18 =	sadd.s32 $0xA00, s30;
	_ =	swait.ge [sflag:s3], $0x10000  }
0x42: {  	s17 =	sshrl.u32 s18, $0x3;
	[sflag:s3] =	ssyncset.done $0x0  }
0x43: {  	s17 =	sadd.s32 s28, s17;
	[sflag:s3] =	ssyncadd.s32 $0xFFFF0000  }
0x44: {  	[tilespmem:s2], [sflag:$0x2] =	stream.linear.gather [hbm4b:s17+s2], $0x200, $0x38;
	[tilespmem:$0x10200] =	vst v63  }
0x45: {  	_ =	swait.ge [sflag:s3], $0x200  }
0x46: {  	[sflag:s3] =	ssyncset.done $0x0  }
0x47: {  	[sflag:s3] =	ssyncadd.s32 $0xFFFFFE00  }
0x48: {  	[tilespmem:s6], [sflag:$0x1] =	stream.indirect.gather [hbm4b:s5+s6], $0x80, s2, s6, $0xb8;
	[tilespmem:$0x10200] =	vst v63  }
0x49: {  	_ =	swait.ge [sflag:s7], $0x10000  }
0x4a: {  	s18 =	sshll.u32 s18, $0x4;
	[sflag:s7] =	ssyncset.done $0x0  }
0x4b: {  	s18 =	sadd.s32 s31, s18;
	[sflag:s7] =	ssyncadd.s32 $0xFFFF0000  }
0x4c: {  	[hbm4b:s18+s2] =	stream.linear.scatter [tilespmem:s6], [sflag:$0x2], $0x10000, $0x38;
	[tilespmem:$0x10200] =	vst v63  }
0x4d: {  	s20 =	sadd.s32 $0xC00, s30;
	_ =	swait.ge [sflag:s3], $0x10000  }
0x4e: {  	s19 =	sshrl.u32 s20, $0x3;
	[sflag:s3] =	ssyncset.done $0x0  }
0x4f: {  	s19 =	sadd.s32 s28, s19;
	[sflag:s3] =	ssyncadd.s32 $0xFFFF0000  }
0x50: {  	[tilespmem:s2], [sflag:$0x2] =	stream.linear.gather [hbm4b:s19+s2], $0x200, $0x38;
	[tilespmem:$0x10200] =	vst v63  }
0x51: {  	_ =	swait.ge [sflag:s3], $0x200  }
0x52: {  	[sflag:s3] =	ssyncset.done $0x0  }
0x53: {  	[sflag:s3] =	ssyncadd.s32 $0xFFFFFE00  }
0x54: {  	[tilespmem:s6], [sflag:$0x1] =	stream.indirect.gather [hbm4b:s5+s6], $0x80, s2, s6, $0xb8;
	[tilespmem:$0x10200] =	vst v63  }
0x55: {  	_ =	swait.ge [sflag:s7], $0x10000  }
0x56: {  	s20 =	sshll.u32 s20, $0x4;
	[sflag:s7] =	ssyncset.done $0x0  }
0x57: {  	s20 =	sadd.s32 s31, s20;
	[sflag:s7] =	ssyncadd.s32 $0xFFFF0000  }
0x58: {  	[hbm4b:s20+s2] =	stream.linear.scatter [tilespmem:s6], [sflag:$0x2], $0x10000, $0x38;
	[tilespmem:$0x10200] =	vst v63  }
0x59: {  	s22 =	sadd.s32 $0xE00, s30;
	_ =	swait.ge [sflag:s3], $0x10000  }
0x5a: {  	s21 =	sshrl.u32 s22, $0x3;
	[sflag:s3] =	ssyncset.done $0x0  }
0x5b: {  	s21 =	sadd.s32 s28, s21;
	[sflag:s3] =	ssyncadd.s32 $0xFFFF0000  }
0x5c: {  	[tilespmem:s2], [sflag:$0x2] =	stream.linear.gather [hbm4b:s21+s2], $0x200, $0x38;
	[tilespmem:$0x10200] =	vst v63  }
0x5d: {  	_ =	swait.ge [sflag:s3], $0x200  }
0x5e: {  	[sflag:s3] =	ssyncset.done $0x0  }
0x5f: {  	[sflag:s3] =	ssyncadd.s32 $0xFFFFFE00  }
0x60: {  	[tilespmem:s6], [sflag:$0x1] =	stream.indirect.gather [hbm4b:s5+s6], $0x80, s2, s6, $0xb8;
	[tilespmem:$0x10200] =	vst v63  }
0x61: {  	_ =	swait.ge [sflag:s7], $0x10000  }
0x62: {  	s22 =	sshll.u32 s22, $0x4;
	[sflag:s7] =	ssyncset.done $0x0  }
0x63: {  	s22 =	sadd.s32 s31, s22;
	[sflag:s7] =	ssyncadd.s32 $0xFFFF0000  }
0x64: {  	[hbm4b:s22+s2] =	stream.linear.scatter [tilespmem:s6], [sflag:$0x2], $0x10000, $0x38;
	[tilespmem:$0x10200] =	vst v63  }
0x65: {  	s24 =	sadd.s32 $0x1000, s30;
	_ =	swait.ge [sflag:s3], $0x10000  }
0x66: {  	s23 =	sshrl.u32 s24, $0x3;
	[sflag:s3] =	ssyncset.done $0x0  }
0x67: {  	s23 =	sadd.s32 s28, s23;
	[sflag:s3] =	ssyncadd.s32 $0xFFFF0000  }
0x68: {  	[tilespmem:s2], [sflag:$0x2] =	stream.linear.gather [hbm4b:s23+s2], $0x200, $0x38;
	[tilespmem:$0x10200] =	vst v63  }
0x69: {  	_ =	swait.ge [sflag:s3], $0x200  }
0x6a: {  	[sflag:s3] =	ssyncset.done $0x0  }
0x6b: {  	[sflag:s3] =	ssyncadd.s32 $0xFFFFFE00  }
0x6c: {  	[tilespmem:s6], [sflag:$0x1] =	stream.indirect.gather [hbm4b:s5+s6], $0x80, s2, s6, $0xb8;
	[tilespmem:$0x10200] =	vst v63  }
0x6d: {  	_ =	swait.ge [sflag:s7], $0x10000  }
0x6e: {  	s24 =	sshll.u32 s24, $0x4;
	[sflag:s7] =	ssyncset.done $0x0  }
0x6f: {  	s24 =	sadd.s32 s31, s24;
	[sflag:s7] =	ssyncadd.s32 $0xFFFF0000  }
0x70: {  	[hbm4b:s24+s2] =	stream.linear.scatter [tilespmem:s6], [sflag:$0x2], $0x10000, $0x38;
	[tilespmem:$0x10200] =	vst v63  }
0x71: {  	s26 =	sadd.s32 $0x1200, s30;
	_ =	swait.ge [sflag:s3], $0x10000  }
0x72: {  	s25 =	sshrl.u32 s26, $0x3;
	[sflag:s3] =	ssyncset.done $0x0  }
0x73: {  	s25 =	sadd.s32 s28, s25;
	[sflag:s3] =	ssyncadd.s32 $0xFFFF0000  }
0x74: {  	[tilespmem:s2], [sflag:$0x2] =	stream.linear.gather [hbm4b:s25+s2], $0x200, $0x38;
	[tilespmem:$0x10200] =	vst v63  }
0x75: {  	_ =	swait.ge [sflag:s3], $0x200  }
0x76: {  	[sflag:s3] =	ssyncset.done $0x0  }
0x77: {  	[sflag:s3] =	ssyncadd.s32 $0xFFFFFE00  }
0x78: {  	[tilespmem:s6], [sflag:$0x1] =	stream.indirect.gather [hbm4b:s5+s6], $0x80, s2, s6, $0xb8;
	[tilespmem:$0x10200] =	vst v63  }
0x79: {  	_ =	swait.ge [sflag:s7], $0x10000  }
0x7a: {  	s26 =	sshll.u32 s26, $0x4;
	[sflag:s7] =	ssyncset.done $0x0  }
0x7b: {  	s26 =	sadd.s32 s31, s26;
	[sflag:s7] =	ssyncadd.s32 $0xFFFF0000  }
0x7c: {  	[hbm4b:s26+s2] =	stream.linear.scatter [tilespmem:s6], [sflag:$0x2], $0x10000, $0x38;
	[tilespmem:$0x10200] =	vst v63  }
0x7d: {  	s30 =	sadd.s32 $0x1400, s30;
	_ =	swait.ge [sflag:s3], $0x10000  }
0x7e: {  	s1 =	sshrl.u32 s30, $0x3;
	[sflag:s3] =	ssyncset.done $0x0  }
0x7f: {  	s28 =	sadd.s32 s28, s1;
	s1 =	ssub.s32 $0x2, s29;
	[sflag:s3] =	ssyncadd.s32 $0xFFFF0000  }
0x80: {  	[tilespmem:s2], [sflag:$0x2] =	stream.linear.gather [hbm4b:s28+s2], $0x200, $0x38;
	[tilespmem:$0x10200] =	vst v63  }
0x81: {  	s29 =	sshrl.u32 s1, $0x1;
	_ =	swait.ge [sflag:s3], $0x200  }
0x82: {  	s1 =	ssub.s32 s1, s29;
	[sflag:s3] =	ssyncset.done $0x0  }
0x83: {  	s1 =	smax.u32 s1, $0x1;
	[sflag:s3] =	ssyncadd.s32 $0xFFFFFE00  }
0x84: {  	[tilespmem:s6], [sflag:$0x1] =	stream.indirect.gather [hbm4b:s5+s6], $0x80, s2, s6, $0xb8;
	[tilespmem:$0x10200] =	vst v63  }
0x85: {  	p0 =	sne.s32 s1, $0x1;
	_ =	swait.ge [sflag:s7], $0x10000  }
.Ltmp0:
0x86: {  	s29 =	sshll.u32 s30, $0x4;
	[sflag:s7] =	ssyncset.done $0x0;
	(pc) =	sbr.rel @!p0 .LBB2_2-.Ltmp0, $4  }
0x87: {  	s29 =	sadd.s32 s31, s29;
	[sflag:s7] =	ssyncadd.s32 $0xFFFF0000  }
0x88: {  	[hbm4b:s29+s2] =	stream.linear.scatter [tilespmem:s6], [sflag:$0x2], $0x10000, $0x38;
	[tilespmem:$0x10200] =	vst v63  }
0x89: {  	_ =	swait.ge [sflag:s3], $0x10000  }
0x8a: {  	s30 =	sadd.s32 $0xFFFFFFFF, s1;
	[sflag:s3] =	ssyncset.done $0x0  }
.LBB2_1:
0x8b: {  	p0 =	sne.s32 s30, $0x1;
	s30 =	sadd.s32 $0xFFFFFFFF, s30;
	[sflag:s3] =	ssyncadd.s32 $0xFFFF0000  }
0x8c: {  	[tilespmem:s2], [sflag:$0x2] =	stream.linear.gather [hbm4b:s4+s2], $0x200, $0x38;
	[tilespmem:$0x10200] =	vst v63  }
0x8d: {  	_ =	swait.ge [sflag:s3], $0x200  }
0x8e: {  	[sflag:s3] =	ssyncset.done $0x0  }
0x8f: {  	[sflag:s3] =	ssyncadd.s32 $0xFFFFFE00  }
0x90: {  	[tilespmem:s6], [sflag:$0x1] =	stream.indirect.gather [hbm4b:s5+s6], $0x80, s2, s6, $0xb8;
	[tilespmem:$0x10200] =	vst v63  }
0x91: {  	_ =	swait.ge [sflag:s7], $0x10000  }
0x92: {  	[sflag:s7] =	ssyncset.done $0x0  }
0x93: {  	[sflag:s7] =	ssyncadd.s32 $0xFFFF0000  }
0x94: {  	[hbm4b:s8+s2] =	stream.linear.scatter [tilespmem:s6], [sflag:$0x2], $0x10000, $0x38;
	[tilespmem:$0x10200] =	vst v63  }
0x95: {  	_ =	swait.ge [sflag:s3], $0x10000  }
0x96: {  	[sflag:s3] =	ssyncset.done $0x0  }
0x97: {  	[sflag:s3] =	ssyncadd.s32 $0xFFFF0000  }
0x98: {  	[tilespmem:s2], [sflag:$0x2] =	stream.linear.gather [hbm4b:s9+s2], $0x200, $0x38;
	[tilespmem:$0x10200] =	vst v63  }
0x99: {  	_ =	swait.ge [sflag:s3], $0x200  }
0x9a: {  	[sflag:s3] =	ssyncset.done $0x0  }
0x9b: {  	[sflag:s3] =	ssyncadd.s32 $0xFFFFFE00  }
0x9c: {  	[tilespmem:s6], [sflag:$0x1] =	stream.indirect.gather [hbm4b:s5+s6], $0x80, s2, s6, $0xb8;
	[tilespmem:$0x10200] =	vst v63  }
0x9d: {  	_ =	swait.ge [sflag:s7], $0x10000  }
0x9e: {  	[sflag:s7] =	ssyncset.done $0x0  }
0x9f: {  	[sflag:s7] =	ssyncadd.s32 $0xFFFF0000  }
0xa0: {  	[hbm4b:s10+s2] =	stream.linear.scatter [tilespmem:s6], [sflag:$0x2], $0x10000, $0x38;
	[tilespmem:$0x10200] =	vst v63  }
0xa1: {  	_ =	swait.ge [sflag:s3], $0x10000  }
0xa2: {  	[sflag:s3] =	ssyncset.done $0x0  }
0xa3: {  	[sflag:s3] =	ssyncadd.s32 $0xFFFF0000  }
0xa4: {  	[tilespmem:s2], [sflag:$0x2] =	stream.linear.gather [hbm4b:s11+s2], $0x200, $0x38;
	[tilespmem:$0x10200] =	vst v63  }
0xa5: {  	_ =	swait.ge [sflag:s3], $0x200  }
0xa6: {  	[sflag:s3] =	ssyncset.done $0x0  }
0xa7: {  	[sflag:s3] =	ssyncadd.s32 $0xFFFFFE00  }
0xa8: {  	[tilespmem:s6], [sflag:$0x1] =	stream.indirect.gather [hbm4b:s5+s6], $0x80, s2, s6, $0xb8;
	[tilespmem:$0x10200] =	vst v63  }
0xa9: {  	_ =	swait.ge [sflag:s7], $0x10000  }
0xaa: {  	[sflag:s7] =	ssyncset.done $0x0  }
0xab: {  	[sflag:s7] =	ssyncadd.s32 $0xFFFF0000  }
0xac: {  	[hbm4b:s12+s2] =	stream.linear.scatter [tilespmem:s6], [sflag:$0x2], $0x10000, $0x38;
	[tilespmem:$0x10200] =	vst v63  }
0xad: {  	_ =	swait.ge [sflag:s3], $0x10000  }
0xae: {  	[sflag:s3] =	ssyncset.done $0x0  }
0xaf: {  	[sflag:s3] =	ssyncadd.s32 $0xFFFF0000  }
0xb0: {  	[tilespmem:s2], [sflag:$0x2] =	stream.linear.gather [hbm4b:s13+s2], $0x200, $0x38;
	[tilespmem:$0x10200] =	vst v63  }
0xb1: {  	_ =	swait.ge [sflag:s3], $0x200  }
0xb2: {  	[sflag:s3] =	ssyncset.done $0x0  }
0xb3: {  	[sflag:s3] =	ssyncadd.s32 $0xFFFFFE00  }
0xb4: {  	[tilespmem:s6], [sflag:$0x1] =	stream.indirect.gather [hbm4b:s5+s6], $0x80, s2, s6, $0xb8;
	[tilespmem:$0x10200] =	vst v63  }
0xb5: {  	_ =	swait.ge [sflag:s7], $0x10000  }
0xb6: {  	[sflag:s7] =	ssyncset.done $0x0  }
0xb7: {  	[sflag:s7] =	ssyncadd.s32 $0xFFFF0000  }
0xb8: {  	[hbm4b:s14+s2] =	stream.linear.scatter [tilespmem:s6], [sflag:$0x2], $0x10000, $0x38;
	[tilespmem:$0x10200] =	vst v63  }
0xb9: {  	_ =	swait.ge [sflag:s3], $0x10000  }
0xba: {  	[sflag:s3] =	ssyncset.done $0x0  }
0xbb: {  	[sflag:s3] =	ssyncadd.s32 $0xFFFF0000  }
0xbc: {  	[tilespmem:s2], [sflag:$0x2] =	stream.linear.gather [hbm4b:s15+s2], $0x200, $0x38;
	[tilespmem:$0x10200] =	vst v63  }
0xbd: {  	_ =	swait.ge [sflag:s3], $0x200  }
0xbe: {  	[sflag:s3] =	ssyncset.done $0x0  }
0xbf: {  	[sflag:s3] =	ssyncadd.s32 $0xFFFFFE00  }
0xc0: {  	[tilespmem:s6], [sflag:$0x1] =	stream.indirect.gather [hbm4b:s5+s6], $0x80, s2, s6, $0xb8;
	[tilespmem:$0x10200] =	vst v63  }
0xc1: {  	_ =	swait.ge [sflag:s7], $0x10000  }
0xc2: {  	[sflag:s7] =	ssyncset.done $0x0  }
0xc3: {  	[sflag:s7] =	ssyncadd.s32 $0xFFFF0000  }
0xc4: {  	[hbm4b:s16+s2] =	stream.linear.scatter [tilespmem:s6], [sflag:$0x2], $0x10000, $0x38;
	[tilespmem:$0x10200] =	vst v63  }
0xc5: {  	_ =	swait.ge [sflag:s3], $0x10000  }
0xc6: {  	[sflag:s3] =	ssyncset.done $0x0  }
0xc7: {  	[sflag:s3] =	ssyncadd.s32 $0xFFFF0000  }
0xc8: {  	[tilespmem:s2], [sflag:$0x2] =	stream.linear.gather [hbm4b:s17+s2], $0x200, $0x38;
	[tilespmem:$0x10200] =	vst v63  }
0xc9: {  	_ =	swait.ge [sflag:s3], $0x200  }
0xca: {  	[sflag:s3] =	ssyncset.done $0x0  }
0xcb: {  	[sflag:s3] =	ssyncadd.s32 $0xFFFFFE00  }
0xcc: {  	[tilespmem:s6], [sflag:$0x1] =	stream.indirect.gather [hbm4b:s5+s6], $0x80, s2, s6, $0xb8;
	[tilespmem:$0x10200] =	vst v63  }
0xcd: {  	_ =	swait.ge [sflag:s7], $0x10000  }
0xce: {  	[sflag:s7] =	ssyncset.done $0x0  }
0xcf: {  	[sflag:s7] =	ssyncadd.s32 $0xFFFF0000  }
0xd0: {  	[hbm4b:s18+s2] =	stream.linear.scatter [tilespmem:s6], [sflag:$0x2], $0x10000, $0x38;
	[tilespmem:$0x10200] =	vst v63  }
0xd1: {  	_ =	swait.ge [sflag:s3], $0x10000  }
0xd2: {  	[sflag:s3] =	ssyncset.done $0x0  }
0xd3: {  	[sflag:s3] =	ssyncadd.s32 $0xFFFF0000  }
0xd4: {  	[tilespmem:s2], [sflag:$0x2] =	stream.linear.gather [hbm4b:s19+s2], $0x200, $0x38;
	[tilespmem:$0x10200] =	vst v63  }
0xd5: {  	_ =	swait.ge [sflag:s3], $0x200  }
0xd6: {  	[sflag:s3] =	ssyncset.done $0x0  }
0xd7: {  	[sflag:s3] =	ssyncadd.s32 $0xFFFFFE00  }
0xd8: {  	[tilespmem:s6], [sflag:$0x1] =	stream.indirect.gather [hbm4b:s5+s6], $0x80, s2, s6, $0xb8;
	[tilespmem:$0x10200] =	vst v63  }
0xd9: {  	_ =	swait.ge [sflag:s7], $0x10000  }
0xda: {  	[sflag:s7] =	ssyncset.done $0x0  }
0xdb: {  	[sflag:s7] =	ssyncadd.s32 $0xFFFF0000  }
0xdc: {  	[hbm4b:s20+s2] =	stream.linear.scatter [tilespmem:s6], [sflag:$0x2], $0x10000, $0x38;
	[tilespmem:$0x10200] =	vst v63  }
0xdd: {  	_ =	swait.ge [sflag:s3], $0x10000  }
0xde: {  	[sflag:s3] =	ssyncset.done $0x0  }
0xdf: {  	[sflag:s3] =	ssyncadd.s32 $0xFFFF0000  }
0xe0: {  	[tilespmem:s2], [sflag:$0x2] =	stream.linear.gather [hbm4b:s21+s2], $0x200, $0x38;
	[tilespmem:$0x10200] =	vst v63  }
0xe1: {  	_ =	swait.ge [sflag:s3], $0x200  }
0xe2: {  	[sflag:s3] =	ssyncset.done $0x0  }
0xe3: {  	[sflag:s3] =	ssyncadd.s32 $0xFFFFFE00  }
0xe4: {  	[tilespmem:s6], [sflag:$0x1] =	stream.indirect.gather [hbm4b:s5+s6], $0x80, s2, s6, $0xb8;
	[tilespmem:$0x10200] =	vst v63  }
0xe5: {  	_ =	swait.ge [sflag:s7], $0x10000  }
0xe6: {  	[sflag:s7] =	ssyncset.done $0x0  }
0xe7: {  	[sflag:s7] =	ssyncadd.s32 $0xFFFF0000  }
0xe8: {  	[hbm4b:s22+s2] =	stream.linear.scatter [tilespmem:s6], [sflag:$0x2], $0x10000, $0x38;
	[tilespmem:$0x10200] =	vst v63  }
0xe9: {  	_ =	swait.ge [sflag:s3], $0x10000  }
0xea: {  	[sflag:s3] =	ssyncset.done $0x0  }
0xeb: {  	[sflag:s3] =	ssyncadd.s32 $0xFFFF0000  }
0xec: {  	[tilespmem:s2], [sflag:$0x2] =	stream.linear.gather [hbm4b:s23+s2], $0x200, $0x38;
	[tilespmem:$0x10200] =	vst v63  }
0xed: {  	_ =	swait.ge [sflag:s3], $0x200  }
0xee: {  	[sflag:s3] =	ssyncset.done $0x0  }
0xef: {  	[sflag:s3] =	ssyncadd.s32 $0xFFFFFE00  }
0xf0: {  	[tilespmem:s6], [sflag:$0x1] =	stream.indirect.gather [hbm4b:s5+s6], $0x80, s2, s6, $0xb8;
	[tilespmem:$0x10200] =	vst v63  }
0xf1: {  	_ =	swait.ge [sflag:s7], $0x10000  }
0xf2: {  	[sflag:s7] =	ssyncset.done $0x0  }
0xf3: {  	[sflag:s7] =	ssyncadd.s32 $0xFFFF0000  }
0xf4: {  	[hbm4b:s24+s2] =	stream.linear.scatter [tilespmem:s6], [sflag:$0x2], $0x10000, $0x38;
	[tilespmem:$0x10200] =	vst v63  }
0xf5: {  	_ =	swait.ge [sflag:s3], $0x10000  }
0xf6: {  	[sflag:s3] =	ssyncset.done $0x0  }
0xf7: {  	[sflag:s3] =	ssyncadd.s32 $0xFFFF0000  }
0xf8: {  	[tilespmem:s2], [sflag:$0x2] =	stream.linear.gather [hbm4b:s25+s2], $0x200, $0x38;
	[tilespmem:$0x10200] =	vst v63  }
0xf9: {  	_ =	swait.ge [sflag:s3], $0x200  }
0xfa: {  	[sflag:s3] =	ssyncset.done $0x0  }
0xfb: {  	[sflag:s3] =	ssyncadd.s32 $0xFFFFFE00  }
0xfc: {  	[tilespmem:s6], [sflag:$0x1] =	stream.indirect.gather [hbm4b:s5+s6], $0x80, s2, s6, $0xb8;
	[tilespmem:$0x10200] =	vst v63  }
0xfd: {  	_ =	swait.ge [sflag:s7], $0x10000  }
0xfe: {  	[sflag:s7] =	ssyncset.done $0x0  }
0xff: {  	[sflag:s7] =	ssyncadd.s32 $0xFFFF0000  }
0x100: {  	[hbm4b:s26+s2] =	stream.linear.scatter [tilespmem:s6], [sflag:$0x2], $0x10000, $0x38;
	[tilespmem:$0x10200] =	vst v63  }
0x101: {  	_ =	swait.ge [sflag:s3], $0x10000  }
0x102: {  	[sflag:s3] =	ssyncset.done $0x0  }
0x103: {  	[sflag:s3] =	ssyncadd.s32 $0xFFFF0000  }
0x104: {  	[tilespmem:s2], [sflag:$0x2] =	stream.linear.gather [hbm4b:s28+s2], $0x200, $0x38;
	[tilespmem:$0x10200] =	vst v63  }
0x105: {  	_ =	swait.ge [sflag:s3], $0x200  }
0x106: {  	[sflag:s3] =	ssyncset.done $0x0  }
0x107: {  	[sflag:s3] =	ssyncadd.s32 $0xFFFFFE00  }
0x108: {  	[tilespmem:s6], [sflag:$0x1] =	stream.indirect.gather [hbm4b:s5+s6], $0x80, s2, s6, $0xb8;
	[tilespmem:$0x10200] =	vst v63  }
0x109: {  	_ =	swait.ge [sflag:s7], $0x10000  }
.Ltmp1:
0x10a: {  	[sflag:s7] =	ssyncset.done $0x0;
	(pc) =	sbr.rel @p0 .LBB2_1-.Ltmp1, $4  }
0x10b: {  	[sflag:s7] =	ssyncadd.s32 $0xFFFF0000  }
0x10c: {  	[hbm4b:s29+s2] =	stream.linear.scatter [tilespmem:s6], [sflag:$0x2], $0x10000, $0x38;
	[tilespmem:$0x10200] =	vst v63  }
0x10d: {  	_ =	swait.ge [sflag:s3], $0x10000  }
0x10e: {  	[sflag:s3] =	ssyncset.done $0x0  }
.LBB2_2:
0x10f: {  	[sflag:s3] =	ssyncadd.s32 $0xFFFF0000  }
0x110: {  	_ =	sfence.sel $0x180000  }
0x111: {  	[bflag:$0x0] =	sbarrier.arrive $0xFFFF  }
0x112: {  	_ =	strace $0x90000047  }
0x113: {  	[bflag:$0x2] =	sbarrier.arrive $0xFFFF  }
0x114: {  	p0 =	sne.s32 s0, $0x0;
	s0 =	rddreg [dreg:$0x2]  }
0x115: {  	s0 =	sadd.s32 @!p0 $0x100000, s0  }
0x116: {  	[sflag:s0] =	ssyncadd.tile.s32 @!p0 $0x1;
	_ =	shalt  }
.Lfunc_end2:
_tile_overlayer_lowered:
.L_overlay_start_2:
0x117: {  	(tag) =	ssettag $0x2  }
0x118: {  	s0 =	rddreg [dreg:$0x0];
	s2 =	stileid.u32  }
0x119: {  	s1 =	rddreg [dreg:$0x1];
	p0 =	sne.s32 s2, $0x0  }
0x11a: {  	s3 =	rddreg [dreg:$0x2];
	[bflag:$0x3] =	sbarrier.arrive $0xFFFF;
	s2 =	simm.s32 @!p0 $0x1C02  }
0x11b: {  	[timem:s3], [sflag:s2] =	dma.local @!p0 [hbm:s0], s1  }
0x11c: {  	s0 =	simm.s32 @!p0 $0x2  }
0x11d: {  	_ =	swait.ge @!p0 [sflag:s0], s1  }
0x11e: {  	s1 =	ssub.s32 @!p0 $0x0, s1;
	[sflag:s0] =	ssyncset.done @!p0 $0x0  }
0x11f: {  	[sflag:s0] =	ssyncadd.s32 @!p0 s1  }
0x120: {  	[bflag:$0x3] =	sbarrier.arrive $0xFFFF  }
0x121: {  	_ =	shalt  }

</sc_bundles>
